<compile_context>
chip_gen: v7x
topology: tpu7x:2x2x1
jax: 0.10.2.dev20260603
libtpu: 0.0.44.dev20260713+nightly
codegen_flags: <defaults>
</compile_context>

<pallas_src>
import functools

import jax
import jax.numpy as jnp
from jax import lax
from jax.experimental import pallas as pl
from jax.experimental.pallas import tpu as pltpu
from jax.experimental.pallas import tpu_sc as plsc

N_NODES = 10000
D = 128
NC = 2
NS = 16
NW = NC * NS
CHUNK = 128
N_ACC = 10048
DRAIN = 632
CORE0_SHARE = 0.5


def _sc_aggregate(edges, x0, x1, e):
    pair = NS * CHUNK
    n_pairs = e // pair
    k0 = max(2, min(n_pairs - 2, round(n_pairs * CORE0_SHARE)))
    k1 = n_pairs - k0
    n0 = NS * k0 * CHUNK
    tail_start = n0 + NS * k1 * CHUNK
    n_tail = (e - tail_start) // CHUNK
    assert tail_start + n_tail * CHUNK == e and n_tail <= NS

    mesh = plsc.VectorSubcoreMesh(core_axis_name="c", subcore_axis_name="s")

    @functools.partial(
        pl.kernel,
        out_type=jax.ShapeDtypeStruct((NC, N_ACC, D), jnp.float32),
        mesh=mesh,
        scratch_types=[
            pltpu.VMEM((4, 2, CHUNK), jnp.int32),
            pltpu.VMEM((3, CHUNK, D), jnp.float32),
            pltpu.VMEM_SHARED((N_ACC, D), jnp.float32),
            pltpu.SemaphoreType.DMA((4,)),
            pltpu.SemaphoreType.DMA((3,)),
            pltpu.SemaphoreType.DMA,
        ],
    )
    def sc_agg(ed_hbm, x0_hbm, x1_hbm, out_hbm, idx_v, rows_v, acc,
               sem_i, sem_g, sem_s):
        c = lax.axis_index("c")
        s = lax.axis_index("s")

        n_mine = jnp.where(
            c == 0, k0 + jnp.where(s < n_tail, 1, 0), k1).astype(jnp.int32)
        start_w = jnp.where(c == 0, s * (k0 * CHUNK), n0 + s * (k1 * CHUNK))

        def chunk_off(i):
            return jnp.where((c == 0) & (i >= k0),
                             tail_start + s * CHUNK, start_w + i * CHUNK)

        def fire_idx(i):
            b = lax.rem(i, 4)
            off = chunk_off(i)
            pltpu.async_copy(ed_hbm.at[0, pl.ds(off, CHUNK)], idx_v.at[b, 0],
                             sem_i.at[b])
            pltpu.async_copy(ed_hbm.at[1, pl.ds(off, CHUNK)], idx_v.at[b, 1],
                             sem_i.at[b])

        def wait_idx(i):
            b = lax.rem(i, 4)
            off = chunk_off(i)
            pltpu.make_async_copy(
                ed_hbm.at[0, pl.ds(off, CHUNK)], idx_v.at[b, 0], sem_i.at[b]).wait()
            pltpu.make_async_copy(
                ed_hbm.at[1, pl.ds(off, CHUNK)], idx_v.at[b, 1], sem_i.at[b]).wait()

        def fire_gather(i):
            ib = lax.rem(i, 4)
            rb = lax.rem(i, 3)

            @pl.when(c == 0)
            def _():
                pltpu.async_copy(x0_hbm.at[idx_v.at[ib, 0]], rows_v.at[rb],
                                 sem_g.at[rb])

            @pl.when(c != 0)
            def _():
                pltpu.async_copy(x1_hbm.at[idx_v.at[ib, 0]], rows_v.at[rb],
                                 sem_g.at[rb])

        def wait_gather(i):
            rb = lax.rem(i, 3)
            pltpu.make_async_copy(
                x0_hbm.at[idx_v.at[0, 0]], rows_v.at[rb], sem_g.at[rb]).wait()

        def fire_scatter(i):
            ib = lax.rem(i, 4)
            rb = lax.rem(i, 3)
            pltpu.async_copy(
                rows_v.at[rb], acc.at[idx_v.at[ib, 1]], sem_s, add=True)

        def wait_scatter():
            pltpu.make_async_copy(
                rows_v.at[0], acc.at[idx_v.at[0, 1]], sem_s).wait()

        def zero_body(i, _):
            rows_v[0, i // 8, pl.ds((i % 8) * 16, 16)] = jnp.zeros(
                (16,), jnp.float32)
            return 0

        lax.fori_loop(0, CHUNK * (D // 16), zero_body, 0)

        base = s * DRAIN
        full_all = (N_ACC - (NS - 1) * DRAIN) // CHUNK
        for k in range(full_all):
            pltpu.sync_copy(rows_v.at[0], acc.at[pl.ds(base + k * CHUNK, CHUNK)])
        rem_lo = N_ACC - (NS - 1) * DRAIN - full_all * CHUNK
        rem_hi = DRAIN - full_all * CHUNK

        @pl.when(s == NS - 1)
        def _():
            if rem_lo:
                pltpu.sync_copy(rows_v.at[0, pl.ds(0, rem_lo)],
                                acc.at[pl.ds(base + full_all * CHUNK, rem_lo)])

        @pl.when(s != NS - 1)
        def _():
            if rem_hi:
                pltpu.sync_copy(rows_v.at[0, pl.ds(0, rem_hi)],
                                acc.at[pl.ds(base + full_all * CHUNK, rem_hi)])

        plsc.subcore_barrier()

        fire_idx(0)
        fire_idx(1)

        @pl.when(n_mine > 2)
        def _():
            fire_idx(2)

        wait_idx(0)
        fire_gather(0)

        @pl.when(n_mine > 1)
        def _():
            wait_idx(1)
            fire_gather(1)

        def body(i, _):
            wait_gather(i)

            @pl.when(i >= 1)
            def _():
                wait_scatter()

            @pl.when(i + 2 < n_mine)
            def _():
                wait_idx(i + 2)
                fire_gather(i + 2)

            fire_scatter(i)

            @pl.when(i + 3 < n_mine)
            def _():
                fire_idx(i + 3)

            return 0

        lax.fori_loop(0, n_mine, body, 0)
        wait_scatter()
        plsc.subcore_barrier()

        def drain_part(k, length):
            pltpu.sync_copy(
                acc.at[pl.ds(base + k * CHUNK, length)],
                out_hbm.at[c, pl.ds(base + k * CHUNK, length)])

        for k in range(full_all):
            drain_part(k, CHUNK)

        @pl.when(s == NS - 1)
        def _():
            if rem_lo:
                drain_part(full_all, rem_lo)

        @pl.when(s != NS - 1)
        def _():
            if rem_hi:
                drain_part(full_all, rem_hi)

    return sc_agg(edges, x0, x1)


def _tc_linear(partials, x, weight, eps, bias2):
    blk = 2000
    grid = (N_NODES // blk,)

    def body(p_ref, x_ref, w_ref, e_ref, b_ref, out_ref, rep_ref):
        rep = p_ref[0] + p_ref[1] + e_ref[0, 0] * x_ref[...]
        rep_ref[...] = rep
        out_ref[...] = (
            jnp.dot(rep, w_ref[...], preferred_element_type=jnp.float32)
            + b_ref[...]
        )

    return pl.pallas_call(
        body,
        grid=grid,
        in_specs=[
            pl.BlockSpec((NC, blk, D), lambda i: (0, i, 0)),
            pl.BlockSpec((blk, D), lambda i: (i, 0)),
            pl.BlockSpec((D, D), lambda i: (0, 0)),
            pl.BlockSpec((1, 1), lambda i: (0, 0)),
            pl.BlockSpec((1, D), lambda i: (0, 0)),
        ],
        out_specs=[
            pl.BlockSpec((blk, D), lambda i: (i, 0)),
            pl.BlockSpec((blk, D), lambda i: (i, 0)),
        ],
        out_shape=[
            jax.ShapeDtypeStruct((N_NODES, D), jnp.float32),
            jax.ShapeDtypeStruct((N_NODES, D), jnp.float32),
        ],
    )(partials, x, weight, eps, bias2)


def kernel(x, edge_index, weight, epsilon, bias):
    edges = edge_index.astype(jnp.int32)
    e = edges.shape[1]
    partials = _sc_aggregate(edges, x, x, e)
    eps2 = epsilon.reshape(1, 1)
    bias2 = bias.reshape(1, D)
    out, rep = _tc_linear(partials, x, weight, eps2, bias2)
    return (out, rep)

# --- scband reference (transcript-rebuilt; emitter-appended) ---
"""Pipeline reference for scband-graph-isomorphism-62586263437744 (READ-ONLY COPY).

The authoritative reference and input builder live on the scoring server;
editing this copy changes nothing except your own understanding.
"""

import jax, jax.numpy as jnp
import numpy as np

N_NODES = 10000
N_EDGES = 320000
D_IN = 128
D_OUT = 128


def setup_inputs(seed: int = 0) -> dict:
    key = jax.random.key(seed)
    k_x, k_ei, k_w, k_b = jax.random.split(key, 4)
    x = jax.random.normal(k_x, (N_NODES, D_IN), dtype=jnp.float32)
    edge_index = jax.random.randint(k_ei, (2, N_EDGES), 0, N_NODES, dtype=jnp.int64)
    stdv = 1.0 / np.sqrt(D_OUT)
    weight = jax.random.uniform(k_w, (D_IN, D_OUT), dtype=jnp.float32, minval=-stdv, maxval=stdv)
    epsilon = jnp.ones((1,), dtype=jnp.float32)
    bias = jax.random.uniform(k_b, (D_OUT,), dtype=jnp.float32, minval=-stdv, maxval=stdv)
    return {"x": x, "edge_index": edge_index, "weight": weight, "epsilon": epsilon, "bias": bias}


def reference(x, edge_index, weight, epsilon, bias):
    # GIN layer: adj @ x (sparse, unit edge weights) + (epsilon * I) @ x,
    # then linear projection with bias. Returns (output, representation).
    src = edge_index[0]
    dst = edge_index[1]
    # spmm(adj, x): gather source features, scatter-add to destination nodes
    agg = jax.ops.segment_sum(x[src], dst, num_segments=x.shape[0])
    # (epsilon * eye(N)) @ x == epsilon * x
    rep = agg + epsilon * x
    out = jnp.matmul(rep, weight) + bias
    return (out, rep)

if __name__ == "__main__":
    import jax
    _d = setup_inputs()
    print(jax.jit(kernel)(*tuple(_d.values())))

</pallas_src>

<mosaic_0001>
#map = affine_map<(d0, d1) -> (0, 0)>
#map1 = affine_map<(d0, d1) -> (0, 0, 0)>
module attributes {stable_mosaic.version = 14 : i64} {
  func.func @sc_agg(%arg0: i32, %arg1: i32, %arg2: memref<2x320000xi32, #tpu.memory_space<hbm>>, %arg3: memref<10000x128xf32, #tpu.memory_space<hbm>>, %arg4: memref<10000x128xf32, #tpu.memory_space<hbm>>, %arg5: memref<2x10048x128xf32, #tpu.memory_space<hbm>>, %arg6: memref<4x2x128xi32, #tpu.memory_space<vmem>>, %arg7: memref<3x128x128xf32, #tpu.memory_space<vmem>>, %arg8: memref<10048x128xf32, #tpu.memory_space<vmem_shared>>, %arg9: memref<4x!tpu.dma_semaphore, #tpu.memory_space<semaphore_mem>>, %arg10: memref<3x!tpu.dma_semaphore, #tpu.memory_space<semaphore_mem>>, %arg11: memref<!tpu.dma_semaphore, #tpu.memory_space<semaphore_mem>>) attributes {dimension_semantics = [#tpu.dimension_semantics<core_parallel>, #tpu.dimension_semantics<subcore_parallel>], iteration_bounds = array<i64: 2, 16>, scalar_prefetch = 0 : i64, scratch_operands = 6 : i64, tpu.core_type = #tpu.core_type<sc_vector_subcore>, window_params = [{transform_indices = #map}, {transform_indices = #map}, {transform_indices = #map}, {transform_indices = #map1}]} {
    %eq3A = arith.constant 0 : i32
    %eq3A_0 = arith.cmpi eq, %arg0, %eq3A : i32
    %lt3A = arith.constant 4 : i32
    %lt3A_1 = arith.cmpi slt, %arg1, %lt3A : i32
    %jit3A = arith.constant 1 : i32
    %jit3A_2 = arith.constant 0 : i32
    %select_n3A = arith.select %lt3A_1, %jit3A, %jit3A_2 : i32
    %add3A = arith.constant 78 : i32
    %add3A_3 = arith.addi %add3A, %select_n3A : i32
    %jit3A_4 = arith.constant 78 : i32
    %select_n3A_5 = arith.select %eq3A_0, %add3A_3, %jit3A_4 : i32
    %eq3A_6 = arith.constant 0 : i32
    %eq3A_7 = arith.cmpi eq, %arg0, %eq3A_6 : i32
    %mul3A = arith.constant 9984 : i32
    %mul3A_8 = arith.muli %arg1, %mul3A : i32
    %mul3A_9 = arith.constant 9984 : i32
    %mul3A_10 = arith.muli %arg1, %mul3A_9 : i32
    %add3A_11 = arith.constant 159744 : i32
    %add3A_12 = arith.addi %add3A_11, %mul3A_10 : i32
    %select_n3A_13 = arith.select %eq3A_7, %mul3A_8, %add3A_12 : i32
    %scan3A = arith.constant 0 : i32
    %scan3A_14 = arith.constant 0 : i32
    %scan3A_15 = arith.constant 1024 : i32
    %scan3A_16 = arith.addi %scan3A_14, %scan3A_15 : i32
    %scan3A_17 = arith.constant 1 : i32
    %scan3A_18 = scf.for %scan3A_238 = %scan3A_14 to %scan3A_16 step %scan3A_17 iter_args(%scan3A_239 = %scan3A) -> (i32)  : i32 {
      %broadcast_in_dim3A = arith.constant 0.000000e+00 : f32
      %broadcast_in_dim3A_240 = vector.broadcast %broadcast_in_dim3A : f32 to vector<16xf32>
      %jit3A_241 = arith.constant 8 : i32
      %div3A = arith.divsi %scan3A_238, %jit3A_241 : i32
      %sign3A = arith.constant 0 : i32
      %sign3A_242 = arith.cmpi sgt, %scan3A_238, %sign3A : i32
      %sign3A_243 = arith.extui %sign3A_242 : i1 to i32
      %sign3A_244 = arith.constant 0 : i32
      %sign3A_245 = arith.cmpi slt, %scan3A_238, %sign3A_244 : i32
      %sign3A_246 = arith.extui %sign3A_245 : i1 to i32
      %sign3A_247 = arith.subi %sign3A_243, %sign3A_246 : i32
      %sign3A_248 = arith.constant 0 : i32
      %sign3A_249 = arith.cmpi sgt, %jit3A_241, %sign3A_248 : i32
      %sign3A_250 = arith.extui %sign3A_249 : i1 to i32
      %sign3A_251 = arith.constant 0 : i32
      %sign3A_252 = arith.cmpi slt, %jit3A_241, %sign3A_251 : i32
      %sign3A_253 = arith.extui %sign3A_252 : i1 to i32
      %sign3A_254 = arith.subi %sign3A_250, %sign3A_253 : i32
      %ne3A_255 = arith.cmpi ne, %sign3A_247, %sign3A_254 : i32
      %rem3A_256 = arith.remsi %scan3A_238, %jit3A_241 : i32
      %ne3A_257 = arith.constant 0 : i32
      %ne3A_258 = arith.cmpi ne, %rem3A_256, %ne3A_257 : i32
      %and3A_259 = arith.andi %ne3A_255, %ne3A_258 : i1
      %sub3A = arith.constant 1 : i32
      %sub3A_260 = arith.subi %div3A, %sub3A : i32
      %select_n3A_261 = arith.select %and3A_259, %sub3A_260, %div3A : i32
      %jit3A_262 = arith.constant 8 : i32
      %eq3A_263 = arith.constant 0 : i32
      %eq3A_264 = arith.cmpi eq, %jit3A_262, %eq3A_263 : i32
      %jit3A_265 = arith.constant 1 : i32
      %select_n3A_266 = arith.select %eq3A_264, %jit3A_265, %jit3A_262 : i32
      %rem3A_267 = arith.remsi %scan3A_238, %select_n3A_266 : i32
      %ne3A_268 = arith.constant 0 : i32
      %ne3A_269 = arith.cmpi ne, %rem3A_267, %ne3A_268 : i32
      %lt3A_270 = arith.constant 0 : i32
      %lt3A_271 = arith.cmpi slt, %rem3A_267, %lt3A_270 : i32
      %lt3A_272 = arith.constant 0 : i32
      %lt3A_273 = arith.cmpi slt, %select_n3A_266, %lt3A_272 : i32
      %ne3A_274 = arith.xori %lt3A_271, %lt3A_273 : i1
      %and3A_275 = arith.andi %ne3A_274, %ne3A_269 : i1
      %add3A_276 = arith.addi %rem3A_267, %select_n3A_266 : i32
      %select_n3A_277 = arith.select %and3A_275, %add3A_276, %rem3A_267 : i32
      %mul3A_278 = arith.constant 16 : i32
      %mul3A_279 = arith.muli %select_n3A_277, %mul3A_278 : i32
      %swap3A = arith.constant 0 : i32
      %swap3A_280 = arith.index_cast %swap3A : i32 to index
      %swap3A_281 = arith.index_cast %select_n3A_261 : i32 to index
      %swap3A_282 = arith.index_cast %mul3A_279 : i32 to index
      %swap3A_283 = tpu.vector_load %arg7[%swap3A_280, %swap3A_281, %swap3A_282] {strides = array<i32>} : memref<3x128x128xf32, #tpu.memory_space<vmem>>, vector<1x1x16xf32>,
      %swap3A_284 = vector.shape_cast %swap3A_283 : vector<1x1x16xf32> to vector<16xf32>
      %swap3A_285 = vector.shape_cast %broadcast_in_dim3A_240 : vector<16xf32> to vector<1x1x16xf32>
      tpu.vector_store %arg7[%swap3A_280, %swap3A_281, %swap3A_282], %swap3A_285 {strides = array<i32>} : memref<3x128x128xf32, #tpu.memory_space<vmem>>, vector<1x1x16xf32>,
      %scan3A_286 = arith.constant 0 : i32
      scf.yield %scan3A_286 : i32
    }
    %scan3A_19 = arith.constant 1024 : i32
    %mul3A_20 = arith.constant 632 : i32
    %mul3A_21 = arith.muli %arg1, %mul3A_20 : i32
    %add3A_22 = arith.constant 0 : i32
    %add3A_23 = arith.addi %mul3A_21, %add3A_22 : i32
    %run_scoped3A = arith.constant 0 : i32
    "tpu.region"() ({
      %run_scoped3A_238 = tpu.sem_alloc : memref<!tpu.dma_semaphore, #tpu.memory_space<semaphore_mem>>
      %dma_start3A_239 = arith.constant 0 : i32
      %dma_start3A_240 = arith.constant 0 : i32
      %dma_start3A_241 = tpu.memref_slice %arg7[%run_scoped3A, %dma_start3A_239, %dma_start3A_240] : memref<3x128x128xf32, #tpu.memory_space<vmem>> -> memref<1x128x128xf32, #tpu.memory_space<vmem>>
      %dma_start3A_242 = tpu.memref_squeeze %dma_start3A_241 : memref<1x128x128xf32, #tpu.memory_space<vmem>> -> memref<128x128xf32, #tpu.memory_space<vmem>>
      %dma_start3A_243 = arith.constant 0 : i32
      %dma_start3A_244 = tpu.memref_slice %arg8[%add3A_23, %dma_start3A_243] : memref<10048x128xf32, #tpu.memory_space<vmem_shared>> -> memref<128x128xf32, #tpu.memory_space<vmem_shared>>
      %dma_start3A_245 = arith.constant 0 : i32
      %dma_start3A_246 = tpu.memref_slice %arg8[%add3A_23, %dma_start3A_245] : memref<10048x128xf32, #tpu.memory_space<vmem_shared>> -> memref<128x128xf32, #tpu.memory_space<vmem_shared>>
      %dma_start3A_247 = arith.constant 0 : i32
      %dma_start3A_248 = arith.constant 0 : i32
      %dma_start3A_249 = tpu.memref_slice %arg7[%run_scoped3A, %dma_start3A_247, %dma_start3A_248] : memref<3x128x128xf32, #tpu.memory_space<vmem>> -> memref<1x128x128xf32, #tpu.memory_space<vmem>>
      %dma_start3A_250 = tpu.memref_squeeze %dma_start3A_249 : memref<1x128x128xf32, #tpu.memory_space<vmem>> -> memref<128x128xf32, #tpu.memory_space<vmem>>
      tpu.enqueue_dma source(%dma_start3A_250 : memref<128x128xf32, #tpu.memory_space<vmem>>) target(%dma_start3A_246 : memref<128x128xf32, #tpu.memory_space<vmem_shared>>) target_semaphore(%run_scoped3A_238 : memref<!tpu.dma_semaphore, #tpu.memory_space<semaphore_mem>>)
      %dma_wait3A_251 = arith.constant 0 : i32
      %dma_wait3A_252 = arith.constant 0 : i32
      %dma_wait3A_253 = tpu.memref_slice %arg7[%run_scoped3A, %dma_wait3A_251, %dma_wait3A_252] : memref<3x128x128xf32, #tpu.memory_space<vmem>> -> memref<1x128x128xf32, #tpu.memory_space<vmem>>
      %dma_wait3A_254 = tpu.memref_squeeze %dma_wait3A_253 : memref<1x128x128xf32, #tpu.memory_space<vmem>> -> memref<128x128xf32, #tpu.memory_space<vmem>>
      %dma_wait3A_255 = arith.constant 0 : i32
      %dma_wait3A_256 = tpu.memref_slice %arg8[%add3A_23, %dma_wait3A_255] : memref<10048x128xf32, #tpu.memory_space<vmem_shared>> -> memref<128x128xf32, #tpu.memory_space<vmem_shared>>
      %dma_wait3A_257 = arith.constant 0 : i32
      %dma_wait3A_258 = tpu.memref_slice %arg8[%add3A_23, %dma_wait3A_257] : memref<10048x128xf32, #tpu.memory_space<vmem_shared>> -> memref<128x128xf32, #tpu.memory_space<vmem_shared>>
      %dma_wait3A_259 = arith.constant 0 : i32
      %dma_wait3A_260 = arith.constant 0 : i32
      %dma_wait3A_261 = tpu.memref_slice %arg7[%run_scoped3A, %dma_wait3A_259, %dma_wait3A_260] : memref<3x128x128xf32, #tpu.memory_space<vmem>> -> memref<1x128x128xf32, #tpu.memory_space<vmem>>
      %dma_wait3A_262 = tpu.memref_squeeze %dma_wait3A_261 : memref<1x128x128xf32, #tpu.memory_space<vmem>> -> memref<128x128xf32, #tpu.memory_space<vmem>>
      tpu.wait_dma2 semaphore(%run_scoped3A_238 : memref<!tpu.dma_semaphore, #tpu.memory_space<semaphore_mem>>) src(%dma_wait3A_262 : memref<128x128xf32, #tpu.memory_space<vmem>>) dst(%dma_wait3A_258 : memref<128x128xf32, #tpu.memory_space<vmem_shared>>)
      tpu.yield
    }) : () -> ()
    %add3A_24 = arith.constant 128 : i32
    %add3A_25 = arith.addi %mul3A_21, %add3A_24 : i32
    %run_scoped3A_26 = arith.constant 0 : i32
    "tpu.region"() ({
      %run_scoped3A_238 = tpu.sem_alloc : memref<!tpu.dma_semaphore, #tpu.memory_space<semaphore_mem>>
      %dma_start3A_239 = arith.constant 0 : i32
      %dma_start3A_240 = arith.constant 0 : i32
      %dma_start3A_241 = tpu.memref_slice %arg7[%run_scoped3A_26, %dma_start3A_239, %dma_start3A_240] : memref<3x128x128xf32, #tpu.memory_space<vmem>> -> memref<1x128x128xf32, #tpu.memory_space<vmem>>
      %dma_start3A_242 = tpu.memref_squeeze %dma_start3A_241 : memref<1x128x128xf32, #tpu.memory_space<vmem>> -> memref<128x128xf32, #tpu.memory_space<vmem>>
      %dma_start3A_243 = arith.constant 0 : i32
      %dma_start3A_244 = tpu.memref_slice %arg8[%add3A_25, %dma_start3A_243] : memref<10048x128xf32, #tpu.memory_space<vmem_shared>> -> memref<128x128xf32, #tpu.memory_space<vmem_shared>>
      %dma_start3A_245 = arith.constant 0 : i32
      %dma_start3A_246 = tpu.memref_slice %arg8[%add3A_25, %dma_start3A_245] : memref<10048x128xf32, #tpu.memory_space<vmem_shared>> -> memref<128x128xf32, #tpu.memory_space<vmem_shared>>
      %dma_start3A_247 = arith.constant 0 : i32
      %dma_start3A_248 = arith.constant 0 : i32
      %dma_start3A_249 = tpu.memref_slice %arg7[%run_scoped3A_26, %dma_start3A_247, %dma_start3A_248] : memref<3x128x128xf32, #tpu.memory_space<vmem>> -> memref<1x128x128xf32, #tpu.memory_space<vmem>>
      %dma_start3A_250 = tpu.memref_squeeze %dma_start3A_249 : memref<1x128x128xf32, #tpu.memory_space<vmem>> -> memref<128x128xf32, #tpu.memory_space<vmem>>
      tpu.enqueue_dma source(%dma_start3A_250 : memref<128x128xf32, #tpu.memory_space<vmem>>) target(%dma_start3A_246 : memref<128x128xf32, #tpu.memory_space<vmem_shared>>) target_semaphore(%run_scoped3A_238 : memref<!tpu.dma_semaphore, #tpu.memory_space<semaphore_mem>>)
      %dma_wait3A_251 = arith.constant 0 : i32
      %dma_wait3A_252 = arith.constant 0 : i32
      %dma_wait3A_253 = tpu.memref_slice %arg7[%run_scoped3A_26, %dma_wait3A_251, %dma_wait3A_252] : memref<3x128x128xf32, #tpu.memory_space<vmem>> -> memref<1x128x128xf32, #tpu.memory_space<vmem>>
      %dma_wait3A_254 = tpu.memref_squeeze %dma_wait3A_253 : memref<1x128x128xf32, #tpu.memory_space<vmem>> -> memref<128x128xf32, #tpu.memory_space<vmem>>
      %dma_wait3A_255 = arith.constant 0 : i32
      %dma_wait3A_256 = tpu.memref_slice %arg8[%add3A_25, %dma_wait3A_255] : memref<10048x128xf32, #tpu.memory_space<vmem_shared>> -> memref<128x128xf32, #tpu.memory_space<vmem_shared>>
      %dma_wait3A_257 = arith.constant 0 : i32
      %dma_wait3A_258 = tpu.memref_slice %arg8[%add3A_25, %dma_wait3A_257] : memref<10048x128xf32, #tpu.memory_space<vmem_shared>> -> memref<128x128xf32, #tpu.memory_space<vmem_shared>>
      %dma_wait3A_259 = arith.constant 0 : i32
      %dma_wait3A_260 = arith.constant 0 : i32
      %dma_wait3A_261 = tpu.memref_slice %arg7[%run_scoped3A_26, %dma_wait3A_259, %dma_wait3A_260] : memref<3x128x128xf32, #tpu.memory_space<vmem>> -> memref<1x128x128xf32, #tpu.memory_space<vmem>>
      %dma_wait3A_262 = tpu.memref_squeeze %dma_wait3A_261 : memref<1x128x128xf32, #tpu.memory_space<vmem>> -> memref<128x128xf32, #tpu.memory_space<vmem>>
      tpu.wait_dma2 semaphore(%run_scoped3A_238 : memref<!tpu.dma_semaphore, #tpu.memory_space<semaphore_mem>>) src(%dma_wait3A_262 : memref<128x128xf32, #tpu.memory_space<vmem>>) dst(%dma_wait3A_258 : memref<128x128xf32, #tpu.memory_space<vmem_shared>>)
      tpu.yield
    }) : () -> ()
    %add3A_27 = arith.constant 256 : i32
    %add3A_28 = arith.addi %mul3A_21, %add3A_27 : i32
    %run_scoped3A_29 = arith.constant 0 : i32
    "tpu.region"() ({
      %run_scoped3A_238 = tpu.sem_alloc : memref<!tpu.dma_semaphore, #tpu.memory_space<semaphore_mem>>
      %dma_start3A_239 = arith.constant 0 : i32
      %dma_start3A_240 = arith.constant 0 : i32
      %dma_start3A_241 = tpu.memref_slice %arg7[%run_scoped3A_29, %dma_start3A_239, %dma_start3A_240] : memref<3x128x128xf32, #tpu.memory_space<vmem>> -> memref<1x128x128xf32, #tpu.memory_space<vmem>>
      %dma_start3A_242 = tpu.memref_squeeze %dma_start3A_241 : memref<1x128x128xf32, #tpu.memory_space<vmem>> -> memref<128x128xf32, #tpu.memory_space<vmem>>
      %dma_start3A_243 = arith.constant 0 : i32
      %dma_start3A_244 = tpu.memref_slice %arg8[%add3A_28, %dma_start3A_243] : memref<10048x128xf32, #tpu.memory_space<vmem_shared>> -> memref<128x128xf32, #tpu.memory_space<vmem_shared>>
      %dma_start3A_245 = arith.constant 0 : i32
      %dma_start3A_246 = tpu.memref_slice %arg8[%add3A_28, %dma_start3A_245] : memref<10048x128xf32, #tpu.memory_space<vmem_shared>> -> memref<128x128xf32, #tpu.memory_space<vmem_shared>>
      %dma_start3A_247 = arith.constant 0 : i32
      %dma_start3A_248 = arith.constant 0 : i32
      %dma_start3A_249 = tpu.memref_slice %arg7[%run_scoped3A_29, %dma_start3A_247, %dma_start3A_248] : memref<3x128x128xf32, #tpu.memory_space<vmem>> -> memref<1x128x128xf32, #tpu.memory_space<vmem>>
      %dma_start3A_250 = tpu.memref_squeeze %dma_start3A_249 : memref<1x128x128xf32, #tpu.memory_space<vmem>> -> memref<128x128xf32, #tpu.memory_space<vmem>>
      tpu.enqueue_dma source(%dma_start3A_250 : memref<128x128xf32, #tpu.memory_space<vmem>>) target(%dma_start3A_246 : memref<128x128xf32, #tpu.memory_space<vmem_shared>>) target_semaphore(%run_scoped3A_238 : memref<!tpu.dma_semaphore, #tpu.memory_space<semaphore_mem>>)
      %dma_wait3A_251 = arith.constant 0 : i32
      %dma_wait3A_252 = arith.constant 0 : i32
      %dma_wait3A_253 = tpu.memref_slice %arg7[%run_scoped3A_29, %dma_wait3A_251, %dma_wait3A_252] : memref<3x128x128xf32, #tpu.memory_space<vmem>> -> memref<1x128x128xf32, #tpu.memory_space<vmem>>
      %dma_wait3A_254 = tpu.memref_squeeze %dma_wait3A_253 : memref<1x128x128xf32, #tpu.memory_space<vmem>> -> memref<128x128xf32, #tpu.memory_space<vmem>>
      %dma_wait3A_255 = arith.constant 0 : i32
      %dma_wait3A_256 = tpu.memref_slice %arg8[%add3A_28, %dma_wait3A_255] : memref<10048x128xf32, #tpu.memory_space<vmem_shared>> -> memref<128x128xf32, #tpu.memory_space<vmem_shared>>
      %dma_wait3A_257 = arith.constant 0 : i32
      %dma_wait3A_258 = tpu.memref_slice %arg8[%add3A_28, %dma_wait3A_257] : memref<10048x128xf32, #tpu.memory_space<vmem_shared>> -> memref<128x128xf32, #tpu.memory_space<vmem_shared>>
      %dma_wait3A_259 = arith.constant 0 : i32
      %dma_wait3A_260 = arith.constant 0 : i32
      %dma_wait3A_261 = tpu.memref_slice %arg7[%run_scoped3A_29, %dma_wait3A_259, %dma_wait3A_260] : memref<3x128x128xf32, #tpu.memory_space<vmem>> -> memref<1x128x128xf32, #tpu.memory_space<vmem>>
      %dma_wait3A_262 = tpu.memref_squeeze %dma_wait3A_261 : memref<1x128x128xf32, #tpu.memory_space<vmem>> -> memref<128x128xf32, #tpu.memory_space<vmem>>
      tpu.wait_dma2 semaphore(%run_scoped3A_238 : memref<!tpu.dma_semaphore, #tpu.memory_space<semaphore_mem>>) src(%dma_wait3A_262 : memref<128x128xf32, #tpu.memory_space<vmem>>) dst(%dma_wait3A_258 : memref<128x128xf32, #tpu.memory_space<vmem_shared>>)
      tpu.yield
    }) : () -> ()
    %add3A_30 = arith.constant 384 : i32
    %add3A_31 = arith.addi %mul3A_21, %add3A_30 : i32
    %run_scoped3A_32 = arith.constant 0 : i32
    "tpu.region"() ({
      %run_scoped3A_238 = tpu.sem_alloc : memref<!tpu.dma_semaphore, #tpu.memory_space<semaphore_mem>>
      %dma_start3A_239 = arith.constant 0 : i32
      %dma_start3A_240 = arith.constant 0 : i32
      %dma_start3A_241 = tpu.memref_slice %arg7[%run_scoped3A_32, %dma_start3A_239, %dma_start3A_240] : memref<3x128x128xf32, #tpu.memory_space<vmem>> -> memref<1x128x128xf32, #tpu.memory_space<vmem>>
      %dma_start3A_242 = tpu.memref_squeeze %dma_start3A_241 : memref<1x128x128xf32, #tpu.memory_space<vmem>> -> memref<128x128xf32, #tpu.memory_space<vmem>>
      %dma_start3A_243 = arith.constant 0 : i32
      %dma_start3A_244 = tpu.memref_slice %arg8[%add3A_31, %dma_start3A_243] : memref<10048x128xf32, #tpu.memory_space<vmem_shared>> -> memref<128x128xf32, #tpu.memory_space<vmem_shared>>
      %dma_start3A_245 = arith.constant 0 : i32
      %dma_start3A_246 = tpu.memref_slice %arg8[%add3A_31, %dma_start3A_245] : memref<10048x128xf32, #tpu.memory_space<vmem_shared>> -> memref<128x128xf32, #tpu.memory_space<vmem_shared>>
      %dma_start3A_247 = arith.constant 0 : i32
      %dma_start3A_248 = arith.constant 0 : i32
      %dma_start3A_249 = tpu.memref_slice %arg7[%run_scoped3A_32, %dma_start3A_247, %dma_start3A_248] : memref<3x128x128xf32, #tpu.memory_space<vmem>> -> memref<1x128x128xf32, #tpu.memory_space<vmem>>
      %dma_start3A_250 = tpu.memref_squeeze %dma_start3A_249 : memref<1x128x128xf32, #tpu.memory_space<vmem>> -> memref<128x128xf32, #tpu.memory_space<vmem>>
      tpu.enqueue_dma source(%dma_start3A_250 : memref<128x128xf32, #tpu.memory_space<vmem>>) target(%dma_start3A_246 : memref<128x128xf32, #tpu.memory_space<vmem_shared>>) target_semaphore(%run_scoped3A_238 : memref<!tpu.dma_semaphore, #tpu.memory_space<semaphore_mem>>)
      %dma_wait3A_251 = arith.constant 0 : i32
      %dma_wait3A_252 = arith.constant 0 : i32
      %dma_wait3A_253 = tpu.memref_slice %arg7[%run_scoped3A_32, %dma_wait3A_251, %dma_wait3A_252] : memref<3x128x128xf32, #tpu.memory_space<vmem>> -> memref<1x128x128xf32, #tpu.memory_space<vmem>>
      %dma_wait3A_254 = tpu.memref_squeeze %dma_wait3A_253 : memref<1x128x128xf32, #tpu.memory_space<vmem>> -> memref<128x128xf32, #tpu.memory_space<vmem>>
      %dma_wait3A_255 = arith.constant 0 : i32
      %dma_wait3A_256 = tpu.memref_slice %arg8[%add3A_31, %dma_wait3A_255] : memref<10048x128xf32, #tpu.memory_space<vmem_shared>> -> memref<128x128xf32, #tpu.memory_space<vmem_shared>>
      %dma_wait3A_257 = arith.constant 0 : i32
      %dma_wait3A_258 = tpu.memref_slice %arg8[%add3A_31, %dma_wait3A_257] : memref<10048x128xf32, #tpu.memory_space<vmem_shared>> -> memref<128x128xf32, #tpu.memory_space<vmem_shared>>
      %dma_wait3A_259 = arith.constant 0 : i32
      %dma_wait3A_260 = arith.constant 0 : i32
      %dma_wait3A_261 = tpu.memref_slice %arg7[%run_scoped3A_32, %dma_wait3A_259, %dma_wait3A_260] : memref<3x128x128xf32, #tpu.memory_space<vmem>> -> memref<1x128x128xf32, #tpu.memory_space<vmem>>
      %dma_wait3A_262 = tpu.memref_squeeze %dma_wait3A_261 : memref<1x128x128xf32, #tpu.memory_space<vmem>> -> memref<128x128xf32, #tpu.memory_space<vmem>>
      tpu.wait_dma2 semaphore(%run_scoped3A_238 : memref<!tpu.dma_semaphore, #tpu.memory_space<semaphore_mem>>) src(%dma_wait3A_262 : memref<128x128xf32, #tpu.memory_space<vmem>>) dst(%dma_wait3A_258 : memref<128x128xf32, #tpu.memory_space<vmem_shared>>)
      tpu.yield
    }) : () -> ()
    %eq3A_33 = arith.constant 15 : i32
    %eq3A_34 = arith.cmpi eq, %arg1, %eq3A_33 : i32
    %convert_element_type3A = arith.extui %eq3A_34 : i1 to i32
    %cond3A = arith.constant 0 : i32
    %cond3A_35 = arith.cmpi ne, %convert_element_type3A, %cond3A : i32
    scf.if %cond3A_35 {
      %add3A_238 = arith.constant 512 : i32
      %add3A_239 = arith.addi %mul3A_21, %add3A_238 : i32
      %run_scoped3A_240 = arith.constant 0 : i32
      "tpu.region"() ({
        %run_scoped3A_241 = tpu.sem_alloc : memref<!tpu.dma_semaphore, #tpu.memory_space<semaphore_mem>>
        %dma_start3A_242 = arith.constant 0 : i32
        %dma_start3A_243 = arith.constant 0 : i32
        %dma_start3A_244 = tpu.memref_slice %arg7[%run_scoped3A_240, %dma_start3A_242, %dma_start3A_243] : memref<3x128x128xf32, #tpu.memory_space<vmem>> -> memref<1x56x128xf32, #tpu.memory_space<vmem>>
        %dma_start3A_245 = tpu.memref_squeeze %dma_start3A_244 : memref<1x56x128xf32, #tpu.memory_space<vmem>> -> memref<56x128xf32, #tpu.memory_space<vmem>>
        %dma_start3A_246 = arith.constant 0 : i32
        %dma_start3A_247 = tpu.memref_slice %arg8[%add3A_239, %dma_start3A_246] : memref<10048x128xf32, #tpu.memory_space<vmem_shared>> -> memref<56x128xf32, #tpu.memory_space<vmem_shared>>
        %dma_start3A_248 = arith.constant 0 : i32
        %dma_start3A_249 = tpu.memref_slice %arg8[%add3A_239, %dma_start3A_248] : memref<10048x128xf32, #tpu.memory_space<vmem_shared>> -> memref<56x128xf32, #tpu.memory_space<vmem_shared>>
        %dma_start3A_250 = arith.constant 0 : i32
        %dma_start3A_251 = arith.constant 0 : i32
        %dma_start3A_252 = tpu.memref_slice %arg7[%run_scoped3A_240, %dma_start3A_250, %dma_start3A_251] : memref<3x128x128xf32, #tpu.memory_space<vmem>> -> memref<1x56x128xf32, #tpu.memory_space<vmem>>
        %dma_start3A_253 = tpu.memref_squeeze %dma_start3A_252 : memref<1x56x128xf32, #tpu.memory_space<vmem>> -> memref<56x128xf32, #tpu.memory_space<vmem>>
        tpu.enqueue_dma source(%dma_start3A_253 : memref<56x128xf32, #tpu.memory_space<vmem>>) target(%dma_start3A_249 : memref<56x128xf32, #tpu.memory_space<vmem_shared>>) target_semaphore(%run_scoped3A_241 : memref<!tpu.dma_semaphore, #tpu.memory_space<semaphore_mem>>)
        %dma_wait3A_254 = arith.constant 0 : i32
        %dma_wait3A_255 = arith.constant 0 : i32
        %dma_wait3A_256 = tpu.memref_slice %arg7[%run_scoped3A_240, %dma_wait3A_254, %dma_wait3A_255] : memref<3x128x128xf32, #tpu.memory_space<vmem>> -> memref<1x56x128xf32, #tpu.memory_space<vmem>>
        %dma_wait3A_257 = tpu.memref_squeeze %dma_wait3A_256 : memref<1x56x128xf32, #tpu.memory_space<vmem>> -> memref<56x128xf32, #tpu.memory_space<vmem>>
        %dma_wait3A_258 = arith.constant 0 : i32
        %dma_wait3A_259 = tpu.memref_slice %arg8[%add3A_239, %dma_wait3A_258] : memref<10048x128xf32, #tpu.memory_space<vmem_shared>> -> memref<56x128xf32, #tpu.memory_space<vmem_shared>>
        %dma_wait3A_260 = arith.constant 0 : i32
        %dma_wait3A_261 = tpu.memref_slice %arg8[%add3A_239, %dma_wait3A_260] : memref<10048x128xf32, #tpu.memory_space<vmem_shared>> -> memref<56x128xf32, #tpu.memory_space<vmem_shared>>
        %dma_wait3A_262 = arith.constant 0 : i32
        %dma_wait3A_263 = arith.constant 0 : i32
        %dma_wait3A_264 = tpu.memref_slice %arg7[%run_scoped3A_240, %dma_wait3A_262, %dma_wait3A_263] : memref<3x128x128xf32, #tpu.memory_space<vmem>> -> memref<1x56x128xf32, #tpu.memory_space<vmem>>
        %dma_wait3A_265 = tpu.memref_squeeze %dma_wait3A_264 : memref<1x56x128xf32, #tpu.memory_space<vmem>> -> memref<56x128xf32, #tpu.memory_space<vmem>>
        tpu.wait_dma2 semaphore(%run_scoped3A_241 : memref<!tpu.dma_semaphore, #tpu.memory_space<semaphore_mem>>) src(%dma_wait3A_265 : memref<56x128xf32, #tpu.memory_space<vmem>>) dst(%dma_wait3A_261 : memref<56x128xf32, #tpu.memory_space<vmem_shared>>)
        tpu.yield
      }) : () -> ()
    } else {
    }
    %ne3A = arith.constant 15 : i32
    %ne3A_36 = arith.cmpi ne, %arg1, %ne3A : i32
    %convert_element_type3A_37 = arith.extui %ne3A_36 : i1 to i32
    %cond3A_38 = arith.constant 0 : i32
    %cond3A_39 = arith.cmpi ne, %convert_element_type3A_37, %cond3A_38 : i32
    scf.if %cond3A_39 {
      %add3A_238 = arith.constant 512 : i32
      %add3A_239 = arith.addi %mul3A_21, %add3A_238 : i32
      %run_scoped3A_240 = arith.constant 0 : i32
      "tpu.region"() ({
        %run_scoped3A_241 = tpu.sem_alloc : memref<!tpu.dma_semaphore, #tpu.memory_space<semaphore_mem>>
        %dma_start3A_242 = arith.constant 0 : i32
        %dma_start3A_243 = arith.constant 0 : i32
        %dma_start3A_244 = tpu.memref_slice %arg7[%run_scoped3A_240, %dma_start3A_242, %dma_start3A_243] : memref<3x128x128xf32, #tpu.memory_space<vmem>> -> memref<1x120x128xf32, #tpu.memory_space<vmem>>
        %dma_start3A_245 = tpu.memref_squeeze %dma_start3A_244 : memref<1x120x128xf32, #tpu.memory_space<vmem>> -> memref<120x128xf32, #tpu.memory_space<vmem>>
        %dma_start3A_246 = arith.constant 0 : i32
        %dma_start3A_247 = tpu.memref_slice %arg8[%add3A_239, %dma_start3A_246] : memref<10048x128xf32, #tpu.memory_space<vmem_shared>> -> memref<120x128xf32, #tpu.memory_space<vmem_shared>>
        %dma_start3A_248 = arith.constant 0 : i32
        %dma_start3A_249 = tpu.memref_slice %arg8[%add3A_239, %dma_start3A_248] : memref<10048x128xf32, #tpu.memory_space<vmem_shared>> -> memref<120x128xf32, #tpu.memory_space<vmem_shared>>
        %dma_start3A_250 = arith.constant 0 : i32
        %dma_start3A_251 = arith.constant 0 : i32
        %dma_start3A_252 = tpu.memref_slice %arg7[%run_scoped3A_240, %dma_start3A_250, %dma_start3A_251] : memref<3x128x128xf32, #tpu.memory_space<vmem>> -> memref<1x120x128xf32, #tpu.memory_space<vmem>>
        %dma_start3A_253 = tpu.memref_squeeze %dma_start3A_252 : memref<1x120x128xf32, #tpu.memory_space<vmem>> -> memref<120x128xf32, #tpu.memory_space<vmem>>
        tpu.enqueue_dma source(%dma_start3A_253 : memref<120x128xf32, #tpu.memory_space<vmem>>) target(%dma_start3A_249 : memref<120x128xf32, #tpu.memory_space<vmem_shared>>) target_semaphore(%run_scoped3A_241 : memref<!tpu.dma_semaphore, #tpu.memory_space<semaphore_mem>>)
        %dma_wait3A_254 = arith.constant 0 : i32
        %dma_wait3A_255 = arith.constant 0 : i32
        %dma_wait3A_256 = tpu.memref_slice %arg7[%run_scoped3A_240, %dma_wait3A_254, %dma_wait3A_255] : memref<3x128x128xf32, #tpu.memory_space<vmem>> -> memref<1x120x128xf32, #tpu.memory_space<vmem>>
        %dma_wait3A_257 = tpu.memref_squeeze %dma_wait3A_256 : memref<1x120x128xf32, #tpu.memory_space<vmem>> -> memref<120x128xf32, #tpu.memory_space<vmem>>
        %dma_wait3A_258 = arith.constant 0 : i32
        %dma_wait3A_259 = tpu.memref_slice %arg8[%add3A_239, %dma_wait3A_258] : memref<10048x128xf32, #tpu.memory_space<vmem_shared>> -> memref<120x128xf32, #tpu.memory_space<vmem_shared>>
        %dma_wait3A_260 = arith.constant 0 : i32
        %dma_wait3A_261 = tpu.memref_slice %arg8[%add3A_239, %dma_wait3A_260] : memref<10048x128xf32, #tpu.memory_space<vmem_shared>> -> memref<120x128xf32, #tpu.memory_space<vmem_shared>>
        %dma_wait3A_262 = arith.constant 0 : i32
        %dma_wait3A_263 = arith.constant 0 : i32
        %dma_wait3A_264 = tpu.memref_slice %arg7[%run_scoped3A_240, %dma_wait3A_262, %dma_wait3A_263] : memref<3x128x128xf32, #tpu.memory_space<vmem>> -> memref<1x120x128xf32, #tpu.memory_space<vmem>>
        %dma_wait3A_265 = tpu.memref_squeeze %dma_wait3A_264 : memref<1x120x128xf32, #tpu.memory_space<vmem>> -> memref<120x128xf32, #tpu.memory_space<vmem>>
        tpu.wait_dma2 semaphore(%run_scoped3A_241 : memref<!tpu.dma_semaphore, #tpu.memory_space<semaphore_mem>>) src(%dma_wait3A_265 : memref<120x128xf32, #tpu.memory_space<vmem>>) dst(%dma_wait3A_261 : memref<120x128xf32, #tpu.memory_space<vmem_shared>>)
        tpu.yield
      }) : () -> ()
    } else {
    }
    %barrier3A = arith.constant 0 : index
    tpu.barrier barrier_id(%barrier3A)
    %rem3A = arith.constant 0 : i32
    %rem3A_40 = arith.constant 4 : i32
    %rem3A_41 = arith.remsi %rem3A, %rem3A_40 : i32
    %eq3A_42 = arith.constant 0 : i32
    %eq3A_43 = arith.cmpi eq, %arg0, %eq3A_42 : i32
    %and3A = arith.constant false
    %and3A_44 = arith.andi %eq3A_43, %and3A : i1
    %mul3A_45 = arith.constant 128 : i32
    %mul3A_46 = arith.muli %arg1, %mul3A_45 : i32
    %add3A_47 = arith.constant 319488 : i32
    %add3A_48 = arith.addi %add3A_47, %mul3A_46 : i32
    %add3A_49 = arith.constant 0 : i32
    %add3A_50 = arith.addi %select_n3A_13, %add3A_49 : i32
    %select_n3A_51 = arith.select %and3A_44, %add3A_48, %add3A_50 : i32
    %dma_start3A = arith.constant 0 : i32
    %dma_start3A_52 = arith.constant 0 : i32
    %dma_start3A_53 = arith.constant 0 : i32
    %dma_start3A_54 = tpu.memref_slice %arg6[%rem3A_41, %dma_start3A_52, %dma_start3A_53] : memref<4x2x128xi32, #tpu.memory_space<vmem>> -> memref<1x1x128xi32, #tpu.memory_space<vmem>>
    %dma_start3A_55 = tpu.memref_squeeze %dma_start3A_54 : memref<1x1x128xi32, #tpu.memory_space<vmem>> -> memref<128xi32, #tpu.memory_space<vmem>>
    %dma_start3A_56 = tpu.memref_slice %arg2[%dma_start3A, %select_n3A_51] : memref<2x320000xi32, #tpu.memory_space<hbm>> -> memref<1x128xi32, #tpu.memory_space<hbm>>
    %dma_start3A_57 = tpu.memref_squeeze %dma_start3A_56 : memref<1x128xi32, #tpu.memory_space<hbm>> -> memref<128xi32, #tpu.memory_space<hbm>>
    %dma_start3A_58 = tpu.memref_slice %arg9[%rem3A_41] : memref<4x!tpu.dma_semaphore, #tpu.memory_space<semaphore_mem>> -> memref<1x!tpu.dma_semaphore, #tpu.memory_space<semaphore_mem>>
    %dma_start3A_59 = tpu.memref_squeeze %dma_start3A_58 : memref<1x!tpu.dma_semaphore, #tpu.memory_space<semaphore_mem>> -> memref<!tpu.dma_semaphore, #tpu.memory_space<semaphore_mem>>
    %dma_start3A_60 = arith.constant 0 : i32
    %dma_start3A_61 = tpu.memref_slice %arg6[%rem3A_41, %dma_start3A_52, %dma_start3A_60] : memref<4x2x128xi32, #tpu.memory_space<vmem>> -> memref<1x1x128xi32, #tpu.memory_space<vmem>>
    %dma_start3A_62 = tpu.memref_squeeze %dma_start3A_61 : memref<1x1x128xi32, #tpu.memory_space<vmem>> -> memref<128xi32, #tpu.memory_space<vmem>>
    %dma_start3A_63 = tpu.memref_slice %arg2[%dma_start3A, %select_n3A_51] : memref<2x320000xi32, #tpu.memory_space<hbm>> -> memref<1x128xi32, #tpu.memory_space<hbm>>
    %dma_start3A_64 = tpu.memref_squeeze %dma_start3A_63 : memref<1x128xi32, #tpu.memory_space<hbm>> -> memref<128xi32, #tpu.memory_space<hbm>>
    tpu.enqueue_dma source(%dma_start3A_64 : memref<128xi32, #tpu.memory_space<hbm>>) target(%dma_start3A_62 : memref<128xi32, #tpu.memory_space<vmem>>) target_semaphore(%dma_start3A_59 : memref<!tpu.dma_semaphore, #tpu.memory_space<semaphore_mem>>)
    %dma_start3A_65 = arith.constant 1 : i32
    %dma_start3A_66 = arith.constant 1 : i32
    %dma_start3A_67 = arith.constant 0 : i32
    %dma_start3A_68 = tpu.memref_slice %arg6[%rem3A_41, %dma_start3A_66, %dma_start3A_67] : memref<4x2x128xi32, #tpu.memory_space<vmem>> -> memref<1x1x128xi32, #tpu.memory_space<vmem>>
    %dma_start3A_69 = tpu.memref_squeeze %dma_start3A_68 : memref<1x1x128xi32, #tpu.memory_space<vmem>> -> memref<128xi32, #tpu.memory_space<vmem>>
    %dma_start3A_70 = tpu.memref_slice %arg2[%dma_start3A_65, %select_n3A_51] : memref<2x320000xi32, #tpu.memory_space<hbm>> -> memref<1x128xi32, #tpu.memory_space<hbm>>
    %dma_start3A_71 = tpu.memref_squeeze %dma_start3A_70 : memref<1x128xi32, #tpu.memory_space<hbm>> -> memref<128xi32, #tpu.memory_space<hbm>>
    %dma_start3A_72 = tpu.memref_slice %arg9[%rem3A_41] : memref<4x!tpu.dma_semaphore, #tpu.memory_space<semaphore_mem>> -> memref<1x!tpu.dma_semaphore, #tpu.memory_space<semaphore_mem>>
    %dma_start3A_73 = tpu.memref_squeeze %dma_start3A_72 : memref<1x!tpu.dma_semaphore, #tpu.memory_space<semaphore_mem>> -> memref<!tpu.dma_semaphore, #tpu.memory_space<semaphore_mem>>
    %dma_start3A_74 = arith.constant 0 : i32
    %dma_start3A_75 = tpu.memref_slice %arg6[%rem3A_41, %dma_start3A_66, %dma_start3A_74] : memref<4x2x128xi32, #tpu.memory_space<vmem>> -> memref<1x1x128xi32, #tpu.memory_space<vmem>>
    %dma_start3A_76 = tpu.memref_squeeze %dma_start3A_75 : memref<1x1x128xi32, #tpu.memory_space<vmem>> -> memref<128xi32, #tpu.memory_space<vmem>>
    %dma_start3A_77 = tpu.memref_slice %arg2[%dma_start3A_65, %select_n3A_51] : memref<2x320000xi32, #tpu.memory_space<hbm>> -> memref<1x128xi32, #tpu.memory_space<hbm>>
    %dma_start3A_78 = tpu.memref_squeeze %dma_start3A_77 : memref<1x128xi32, #tpu.memory_space<hbm>> -> memref<128xi32, #tpu.memory_space<hbm>>
    tpu.enqueue_dma source(%dma_start3A_78 : memref<128xi32, #tpu.memory_space<hbm>>) target(%dma_start3A_76 : memref<128xi32, #tpu.memory_space<vmem>>) target_semaphore(%dma_start3A_73 : memref<!tpu.dma_semaphore, #tpu.memory_space<semaphore_mem>>)
    %rem3A_79 = arith.constant 1 : i32
    %rem3A_80 = arith.constant 4 : i32
    %rem3A_81 = arith.remsi %rem3A_79, %rem3A_80 : i32
    %eq3A_82 = arith.constant 0 : i32
    %eq3A_83 = arith.cmpi eq, %arg0, %eq3A_82 : i32
    %and3A_84 = arith.constant false
    %and3A_85 = arith.andi %eq3A_83, %and3A_84 : i1
    %mul3A_86 = arith.constant 128 : i32
    %mul3A_87 = arith.muli %arg1, %mul3A_86 : i32
    %add3A_88 = arith.constant 319488 : i32
    %add3A_89 = arith.addi %add3A_88, %mul3A_87 : i32
    %add3A_90 = arith.constant 128 : i32
    %add3A_91 = arith.addi %select_n3A_13, %add3A_90 : i32
    %select_n3A_92 = arith.select %and3A_85, %add3A_89, %add3A_91 : i32
    %dma_start3A_93 = arith.constant 0 : i32
    %dma_start3A_94 = arith.constant 0 : i32
    %dma_start3A_95 = arith.constant 0 : i32
    %dma_start3A_96 = tpu.memref_slice %arg6[%rem3A_81, %dma_start3A_94, %dma_start3A_95] : memref<4x2x128xi32, #tpu.memory_space<vmem>> -> memref<1x1x128xi32, #tpu.memory_space<vmem>>
    %dma_start3A_97 = tpu.memref_squeeze %dma_start3A_96 : memref<1x1x128xi32, #tpu.memory_space<vmem>> -> memref<128xi32, #tpu.memory_space<vmem>>
    %dma_start3A_98 = tpu.memref_slice %arg2[%dma_start3A_93, %select_n3A_92] : memref<2x320000xi32, #tpu.memory_space<hbm>> -> memref<1x128xi32, #tpu.memory_space<hbm>>
    %dma_start3A_99 = tpu.memref_squeeze %dma_start3A_98 : memref<1x128xi32, #tpu.memory_space<hbm>> -> memref<128xi32, #tpu.memory_space<hbm>>
    %dma_start3A_100 = tpu.memref_slice %arg9[%rem3A_81] : memref<4x!tpu.dma_semaphore, #tpu.memory_space<semaphore_mem>> -> memref<1x!tpu.dma_semaphore, #tpu.memory_space<semaphore_mem>>
    %dma_start3A_101 = tpu.memref_squeeze %dma_start3A_100 : memref<1x!tpu.dma_semaphore, #tpu.memory_space<semaphore_mem>> -> memref<!tpu.dma_semaphore, #tpu.memory_space<semaphore_mem>>
    %dma_start3A_102 = arith.constant 0 : i32
    %dma_start3A_103 = tpu.memref_slice %arg6[%rem3A_81, %dma_start3A_94, %dma_start3A_102] : memref<4x2x128xi32, #tpu.memory_space<vmem>> -> memref<1x1x128xi32, #tpu.memory_space<vmem>>
    %dma_start3A_104 = tpu.memref_squeeze %dma_start3A_103 : memref<1x1x128xi32, #tpu.memory_space<vmem>> -> memref<128xi32, #tpu.memory_space<vmem>>
    %dma_start3A_105 = tpu.memref_slice %arg2[%dma_start3A_93, %select_n3A_92] : memref<2x320000xi32, #tpu.memory_space<hbm>> -> memref<1x128xi32, #tpu.memory_space<hbm>>
    %dma_start3A_106 = tpu.memref_squeeze %dma_start3A_105 : memref<1x128xi32, #tpu.memory_space<hbm>> -> memref<128xi32, #tpu.memory_space<hbm>>
    tpu.enqueue_dma source(%dma_start3A_106 : memref<128xi32, #tpu.memory_space<hbm>>) target(%dma_start3A_104 : memref<128xi32, #tpu.memory_space<vmem>>) target_semaphore(%dma_start3A_101 : memref<!tpu.dma_semaphore, #tpu.memory_space<semaphore_mem>>)
    %dma_start3A_107 = arith.constant 1 : i32
    %dma_start3A_108 = arith.constant 1 : i32
    %dma_start3A_109 = arith.constant 0 : i32
    %dma_start3A_110 = tpu.memref_slice %arg6[%rem3A_81, %dma_start3A_108, %dma_start3A_109] : memref<4x2x128xi32, #tpu.memory_space<vmem>> -> memref<1x1x128xi32, #tpu.memory_space<vmem>>
    %dma_start3A_111 = tpu.memref_squeeze %dma_start3A_110 : memref<1x1x128xi32, #tpu.memory_space<vmem>> -> memref<128xi32, #tpu.memory_space<vmem>>
    %dma_start3A_112 = tpu.memref_slice %arg2[%dma_start3A_107, %select_n3A_92] : memref<2x320000xi32, #tpu.memory_space<hbm>> -> memref<1x128xi32, #tpu.memory_space<hbm>>
    %dma_start3A_113 = tpu.memref_squeeze %dma_start3A_112 : memref<1x128xi32, #tpu.memory_space<hbm>> -> memref<128xi32, #tpu.memory_space<hbm>>
    %dma_start3A_114 = tpu.memref_slice %arg9[%rem3A_81] : memref<4x!tpu.dma_semaphore, #tpu.memory_space<semaphore_mem>> -> memref<1x!tpu.dma_semaphore, #tpu.memory_space<semaphore_mem>>
    %dma_start3A_115 = tpu.memref_squeeze %dma_start3A_114 : memref<1x!tpu.dma_semaphore, #tpu.memory_space<semaphore_mem>> -> memref<!tpu.dma_semaphore, #tpu.memory_space<semaphore_mem>>
    %dma_start3A_116 = arith.constant 0 : i32
    %dma_start3A_117 = tpu.memref_slice %arg6[%rem3A_81, %dma_start3A_108, %dma_start3A_116] : memref<4x2x128xi32, #tpu.memory_space<vmem>> -> memref<1x1x128xi32, #tpu.memory_space<vmem>>
    %dma_start3A_118 = tpu.memref_squeeze %dma_start3A_117 : memref<1x1x128xi32, #tpu.memory_space<vmem>> -> memref<128xi32, #tpu.memory_space<vmem>>
    %dma_start3A_119 = tpu.memref_slice %arg2[%dma_start3A_107, %select_n3A_92] : memref<2x320000xi32, #tpu.memory_space<hbm>> -> memref<1x128xi32, #tpu.memory_space<hbm>>
    %dma_start3A_120 = tpu.memref_squeeze %dma_start3A_119 : memref<1x128xi32, #tpu.memory_space<hbm>> -> memref<128xi32, #tpu.memory_space<hbm>>
    tpu.enqueue_dma source(%dma_start3A_120 : memref<128xi32, #tpu.memory_space<hbm>>) target(%dma_start3A_118 : memref<128xi32, #tpu.memory_space<vmem>>) target_semaphore(%dma_start3A_115 : memref<!tpu.dma_semaphore, #tpu.memory_space<semaphore_mem>>)
    %gt3A = arith.constant 2 : i32
    %gt3A_121 = arith.cmpi sgt, %select_n3A_5, %gt3A : i32
    %convert_element_type3A_122 = arith.extui %gt3A_121 : i1 to i32
    %cond3A_123 = arith.constant 0 : i32
    %cond3A_124 = arith.cmpi ne, %convert_element_type3A_122, %cond3A_123 : i32
    scf.if %cond3A_124 {
      %rem3A_238 = arith.constant 2 : i32
      %rem3A_239 = arith.constant 4 : i32
      %rem3A_240 = arith.remsi %rem3A_238, %rem3A_239 : i32
      %eq3A_241 = arith.constant 0 : i32
      %eq3A_242 = arith.cmpi eq, %arg0, %eq3A_241 : i32
      %and3A_243 = arith.constant false
      %and3A_244 = arith.andi %eq3A_242, %and3A_243 : i1
      %mul3A_245 = arith.constant 128 : i32
      %mul3A_246 = arith.muli %arg1, %mul3A_245 : i32
      %add3A_247 = arith.constant 319488 : i32
      %add3A_248 = arith.addi %add3A_247, %mul3A_246 : i32
      %add3A_249 = arith.constant 256 : i32
      %add3A_250 = arith.addi %select_n3A_13, %add3A_249 : i32
      %select_n3A_251 = arith.select %and3A_244, %add3A_248, %add3A_250 : i32
      %dma_start3A_252 = arith.constant 0 : i32
      %dma_start3A_253 = arith.constant 0 : i32
      %dma_start3A_254 = arith.constant 0 : i32
      %dma_start3A_255 = tpu.memref_slice %arg6[%rem3A_240, %dma_start3A_253, %dma_start3A_254] : memref<4x2x128xi32, #tpu.memory_space<vmem>> -> memref<1x1x128xi32, #tpu.memory_space<vmem>>
      %dma_start3A_256 = tpu.memref_squeeze %dma_start3A_255 : memref<1x1x128xi32, #tpu.memory_space<vmem>> -> memref<128xi32, #tpu.memory_space<vmem>>
      %dma_start3A_257 = tpu.memref_slice %arg2[%dma_start3A_252, %select_n3A_251] : memref<2x320000xi32, #tpu.memory_space<hbm>> -> memref<1x128xi32, #tpu.memory_space<hbm>>
      %dma_start3A_258 = tpu.memref_squeeze %dma_start3A_257 : memref<1x128xi32, #tpu.memory_space<hbm>> -> memref<128xi32, #tpu.memory_space<hbm>>
      %dma_start3A_259 = tpu.memref_slice %arg9[%rem3A_240] : memref<4x!tpu.dma_semaphore, #tpu.memory_space<semaphore_mem>> -> memref<1x!tpu.dma_semaphore, #tpu.memory_space<semaphore_mem>>
      %dma_start3A_260 = tpu.memref_squeeze %dma_start3A_259 : memref<1x!tpu.dma_semaphore, #tpu.memory_space<semaphore_mem>> -> memref<!tpu.dma_semaphore, #tpu.memory_space<semaphore_mem>>
      %dma_start3A_261 = arith.constant 0 : i32
      %dma_start3A_262 = tpu.memref_slice %arg6[%rem3A_240, %dma_start3A_253, %dma_start3A_261] : memref<4x2x128xi32, #tpu.memory_space<vmem>> -> memref<1x1x128xi32, #tpu.memory_space<vmem>>
      %dma_start3A_263 = tpu.memref_squeeze %dma_start3A_262 : memref<1x1x128xi32, #tpu.memory_space<vmem>> -> memref<128xi32, #tpu.memory_space<vmem>>
      %dma_start3A_264 = tpu.memref_slice %arg2[%dma_start3A_252, %select_n3A_251] : memref<2x320000xi32, #tpu.memory_space<hbm>> -> memref<1x128xi32, #tpu.memory_space<hbm>>
      %dma_start3A_265 = tpu.memref_squeeze %dma_start3A_264 : memref<1x128xi32, #tpu.memory_space<hbm>> -> memref<128xi32, #tpu.memory_space<hbm>>
      tpu.enqueue_dma source(%dma_start3A_265 : memref<128xi32, #tpu.memory_space<hbm>>) target(%dma_start3A_263 : memref<128xi32, #tpu.memory_space<vmem>>) target_semaphore(%dma_start3A_260 : memref<!tpu.dma_semaphore, #tpu.memory_space<semaphore_mem>>)
      %dma_start3A_266 = arith.constant 1 : i32
      %dma_start3A_267 = arith.constant 1 : i32
      %dma_start3A_268 = arith.constant 0 : i32
      %dma_start3A_269 = tpu.memref_slice %arg6[%rem3A_240, %dma_start3A_267, %dma_start3A_268] : memref<4x2x128xi32, #tpu.memory_space<vmem>> -> memref<1x1x128xi32, #tpu.memory_space<vmem>>
      %dma_start3A_270 = tpu.memref_squeeze %dma_start3A_269 : memref<1x1x128xi32, #tpu.memory_space<vmem>> -> memref<128xi32, #tpu.memory_space<vmem>>
      %dma_start3A_271 = tpu.memref_slice %arg2[%dma_start3A_266, %select_n3A_251] : memref<2x320000xi32, #tpu.memory_space<hbm>> -> memref<1x128xi32, #tpu.memory_space<hbm>>
      %dma_start3A_272 = tpu.memref_squeeze %dma_start3A_271 : memref<1x128xi32, #tpu.memory_space<hbm>> -> memref<128xi32, #tpu.memory_space<hbm>>
      %dma_start3A_273 = tpu.memref_slice %arg9[%rem3A_240] : memref<4x!tpu.dma_semaphore, #tpu.memory_space<semaphore_mem>> -> memref<1x!tpu.dma_semaphore, #tpu.memory_space<semaphore_mem>>
      %dma_start3A_274 = tpu.memref_squeeze %dma_start3A_273 : memref<1x!tpu.dma_semaphore, #tpu.memory_space<semaphore_mem>> -> memref<!tpu.dma_semaphore, #tpu.memory_space<semaphore_mem>>
      %dma_start3A_275 = arith.constant 0 : i32
      %dma_start3A_276 = tpu.memref_slice %arg6[%rem3A_240, %dma_start3A_267, %dma_start3A_275] : memref<4x2x128xi32, #tpu.memory_space<vmem>> -> memref<1x1x128xi32, #tpu.memory_space<vmem>>
      %dma_start3A_277 = tpu.memref_squeeze %dma_start3A_276 : memref<1x1x128xi32, #tpu.memory_space<vmem>> -> memref<128xi32, #tpu.memory_space<vmem>>
      %dma_start3A_278 = tpu.memref_slice %arg2[%dma_start3A_266, %select_n3A_251] : memref<2x320000xi32, #tpu.memory_space<hbm>> -> memref<1x128xi32, #tpu.memory_space<hbm>>
      %dma_start3A_279 = tpu.memref_squeeze %dma_start3A_278 : memref<1x128xi32, #tpu.memory_space<hbm>> -> memref<128xi32, #tpu.memory_space<hbm>>
      tpu.enqueue_dma source(%dma_start3A_279 : memref<128xi32, #tpu.memory_space<hbm>>) target(%dma_start3A_277 : memref<128xi32, #tpu.memory_space<vmem>>) target_semaphore(%dma_start3A_274 : memref<!tpu.dma_semaphore, #tpu.memory_space<semaphore_mem>>)
    } else {
    }
    %rem3A_125 = arith.constant 0 : i32
    %rem3A_126 = arith.constant 4 : i32
    %rem3A_127 = arith.remsi %rem3A_125, %rem3A_126 : i32
    %eq3A_128 = arith.constant 0 : i32
    %eq3A_129 = arith.cmpi eq, %arg0, %eq3A_128 : i32
    %and3A_130 = arith.constant false
    %and3A_131 = arith.andi %eq3A_129, %and3A_130 : i1
    %mul3A_132 = arith.constant 128 : i32
    %mul3A_133 = arith.muli %arg1, %mul3A_132 : i32
    %add3A_134 = arith.constant 319488 : i32
    %add3A_135 = arith.addi %add3A_134, %mul3A_133 : i32
    %add3A_136 = arith.constant 0 : i32
    %add3A_137 = arith.addi %select_n3A_13, %add3A_136 : i32
    %select_n3A_138 = arith.select %and3A_131, %add3A_135, %add3A_137 : i32
    %dma_wait3A = arith.constant 0 : i32
    %dma_wait3A_139 = arith.constant 0 : i32
    %dma_wait3A_140 = arith.constant 0 : i32
    %dma_wait3A_141 = tpu.memref_slice %arg6[%rem3A_127, %dma_wait3A_139, %dma_wait3A_140] : memref<4x2x128xi32, #tpu.memory_space<vmem>> -> memref<1x1x128xi32, #tpu.memory_space<vmem>>
    %dma_wait3A_142 = tpu.memref_squeeze %dma_wait3A_141 : memref<1x1x128xi32, #tpu.memory_space<vmem>> -> memref<128xi32, #tpu.memory_space<vmem>>
    %dma_wait3A_143 = tpu.memref_slice %arg2[%dma_wait3A, %select_n3A_138] : memref<2x320000xi32, #tpu.memory_space<hbm>> -> memref<1x128xi32, #tpu.memory_space<hbm>>
    %dma_wait3A_144 = tpu.memref_squeeze %dma_wait3A_143 : memref<1x128xi32, #tpu.memory_space<hbm>> -> memref<128xi32, #tpu.memory_space<hbm>>
    %dma_wait3A_145 = tpu.memref_slice %arg9[%rem3A_127] : memref<4x!tpu.dma_semaphore, #tpu.memory_space<semaphore_mem>> -> memref<1x!tpu.dma_semaphore, #tpu.memory_space<semaphore_mem>>
    %dma_wait3A_146 = tpu.memref_squeeze %dma_wait3A_145 : memref<1x!tpu.dma_semaphore, #tpu.memory_space<semaphore_mem>> -> memref<!tpu.dma_semaphore, #tpu.memory_space<semaphore_mem>>
    %dma_wait3A_147 = arith.constant 0 : i32
    %dma_wait3A_148 = tpu.memref_slice %arg6[%rem3A_127, %dma_wait3A_139, %dma_wait3A_147] : memref<4x2x128xi32, #tpu.memory_space<vmem>> -> memref<1x1x128xi32, #tpu.memory_space<vmem>>
    %dma_wait3A_149 = tpu.memref_squeeze %dma_wait3A_148 : memref<1x1x128xi32, #tpu.memory_space<vmem>> -> memref<128xi32, #tpu.memory_space<vmem>>
    %dma_wait3A_150 = tpu.memref_slice %arg2[%dma_wait3A, %select_n3A_138] : memref<2x320000xi32, #tpu.memory_space<hbm>> -> memref<1x128xi32, #tpu.memory_space<hbm>>
    %dma_wait3A_151 = tpu.memref_squeeze %dma_wait3A_150 : memref<1x128xi32, #tpu.memory_space<hbm>> -> memref<128xi32, #tpu.memory_space<hbm>>
    tpu.wait_dma2 semaphore(%dma_wait3A_146 : memref<!tpu.dma_semaphore, #tpu.memory_space<semaphore_mem>>) src(%dma_wait3A_151 : memref<128xi32, #tpu.memory_space<hbm>>) dst(%dma_wait3A_149 : memref<128xi32, #tpu.memory_space<vmem>>)
    %dma_wait3A_152 = arith.constant 1 : i32
    %dma_wait3A_153 = arith.constant 1 : i32
    %dma_wait3A_154 = arith.constant 0 : i32
    %dma_wait3A_155 = tpu.memref_slice %arg6[%rem3A_127, %dma_wait3A_153, %dma_wait3A_154] : memref<4x2x128xi32, #tpu.memory_space<vmem>> -> memref<1x1x128xi32, #tpu.memory_space<vmem>>
    %dma_wait3A_156 = tpu.memref_squeeze %dma_wait3A_155 : memref<1x1x128xi32, #tpu.memory_space<vmem>> -> memref<128xi32, #tpu.memory_space<vmem>>
    %dma_wait3A_157 = tpu.memref_slice %arg2[%dma_wait3A_152, %select_n3A_138] : memref<2x320000xi32, #tpu.memory_space<hbm>> -> memref<1x128xi32, #tpu.memory_space<hbm>>
    %dma_wait3A_158 = tpu.memref_squeeze %dma_wait3A_157 : memref<1x128xi32, #tpu.memory_space<hbm>> -> memref<128xi32, #tpu.memory_space<hbm>>
    %dma_wait3A_159 = tpu.memref_slice %arg9[%rem3A_127] : memref<4x!tpu.dma_semaphore, #tpu.memory_space<semaphore_mem>> -> memref<1x!tpu.dma_semaphore, #tpu.memory_space<semaphore_mem>>
    %dma_wait3A_160 = tpu.memref_squeeze %dma_wait3A_159 : memref<1x!tpu.dma_semaphore, #tpu.memory_space<semaphore_mem>> -> memref<!tpu.dma_semaphore, #tpu.memory_space<semaphore_mem>>
    %dma_wait3A_161 = arith.constant 0 : i32
    %dma_wait3A_162 = tpu.memref_slice %arg6[%rem3A_127, %dma_wait3A_153, %dma_wait3A_161] : memref<4x2x128xi32, #tpu.memory_space<vmem>> -> memref<1x1x128xi32, #tpu.memory_space<vmem>>
    %dma_wait3A_163 = tpu.memref_squeeze %dma_wait3A_162 : memref<1x1x128xi32, #tpu.memory_space<vmem>> -> memref<128xi32, #tpu.memory_space<vmem>>
    %dma_wait3A_164 = tpu.memref_slice %arg2[%dma_wait3A_152, %select_n3A_138] : memref<2x320000xi32, #tpu.memory_space<hbm>> -> memref<1x128xi32, #tpu.memory_space<hbm>>
    %dma_wait3A_165 = tpu.memref_squeeze %dma_wait3A_164 : memref<1x128xi32, #tpu.memory_space<hbm>> -> memref<128xi32, #tpu.memory_space<hbm>>
    tpu.wait_dma2 semaphore(%dma_wait3A_160 : memref<!tpu.dma_semaphore, #tpu.memory_space<semaphore_mem>>) src(%dma_wait3A_165 : memref<128xi32, #tpu.memory_space<hbm>>) dst(%dma_wait3A_163 : memref<128xi32, #tpu.memory_space<vmem>>)
    %rem3A_166 = arith.constant 0 : i32
    %rem3A_167 = arith.constant 4 : i32
    %rem3A_168 = arith.remsi %rem3A_166, %rem3A_167 : i32
    %rem3A_169 = arith.constant 0 : i32
    %rem3A_170 = arith.constant 3 : i32
    %rem3A_171 = arith.remsi %rem3A_169, %rem3A_170 : i32
    %eq3A_172 = arith.constant 0 : i32
    %eq3A_173 = arith.cmpi eq, %arg0, %eq3A_172 : i32
    %convert_element_type3A_174 = arith.extui %eq3A_173 : i1 to i32
    %cond3A_175 = arith.constant 0 : i32
    %cond3A_176 = arith.cmpi ne, %convert_element_type3A_174, %cond3A_175 : i32
    scf.if %cond3A_176 {
      %dma_start3A_238 = arith.constant 0 : i32
      %dma_start3A_239 = arith.constant 0 : i32
      %dma_start3A_240 = arith.constant 0 : i32
      %dma_start3A_241 = tpu.memref_slice %arg7[%rem3A_171, %dma_start3A_239, %dma_start3A_240] : memref<3x128x128xf32, #tpu.memory_space<vmem>> -> memref<1x128x128xf32, #tpu.memory_space<vmem>>
      %dma_start3A_242 = tpu.memref_squeeze %dma_start3A_241 : memref<1x128x128xf32, #tpu.memory_space<vmem>> -> memref<128x128xf32, #tpu.memory_space<vmem>>
      %dma_start3A_243 = arith.constant 0 : i32
      %dma_start3A_244 = tpu.memref_slice %arg6[%rem3A_168, %dma_start3A_238, %dma_start3A_243] : memref<4x2x128xi32, #tpu.memory_space<vmem>> -> memref<1x1x128xi32, #tpu.memory_space<vmem>>
      %dma_start3A_245 = tpu.memref_squeeze %dma_start3A_244 : memref<1x1x128xi32, #tpu.memory_space<vmem>> -> memref<128xi32, #tpu.memory_space<vmem>>
      %dma_start3A_246 = arith.constant 0 : i32
      %dma_start3A_247 = arith.constant 0 : i32
      %dma_start3A_248 = tpu.memref_slice %arg3[%dma_start3A_246, %dma_start3A_247] : memref<10000x128xf32, #tpu.memory_space<hbm>> -> memref<10000x128xf32, #tpu.memory_space<hbm>>
      %dma_start3A_249 = tpu.memref_slice %arg10[%rem3A_171] : memref<3x!tpu.dma_semaphore, #tpu.memory_space<semaphore_mem>> -> memref<1x!tpu.dma_semaphore, #tpu.memory_space<semaphore_mem>>
      %dma_start3A_250 = tpu.memref_squeeze %dma_start3A_249 : memref<1x!tpu.dma_semaphore, #tpu.memory_space<semaphore_mem>> -> memref<!tpu.dma_semaphore, #tpu.memory_space<semaphore_mem>>
      tpu.enqueue_indirect_dma source(%dma_start3A_248 : memref<10000x128xf32, #tpu.memory_space<hbm>>) target(%dma_start3A_242 : memref<128x128xf32, #tpu.memory_space<vmem>>) offsets(%dma_start3A_245 : memref<128xi32, #tpu.memory_space<vmem>>) semaphore(%dma_start3A_250 : memref<!tpu.dma_semaphore, #tpu.memory_space<semaphore_mem>>)
    } else {
    }
    %ne3A_177 = arith.constant 0 : i32
    %ne3A_178 = arith.cmpi ne, %arg0, %ne3A_177 : i32
    %convert_element_type3A_179 = arith.extui %ne3A_178 : i1 to i32
    %cond3A_180 = arith.constant 0 : i32
    %cond3A_181 = arith.cmpi ne, %convert_element_type3A_179, %cond3A_180 : i32
    scf.if %cond3A_181 {
      %dma_start3A_238 = arith.constant 0 : i32
      %dma_start3A_239 = arith.constant 0 : i32
      %dma_start3A_240 = arith.constant 0 : i32
      %dma_start3A_241 = tpu.memref_slice %arg7[%rem3A_171, %dma_start3A_239, %dma_start3A_240] : memref<3x128x128xf32, #tpu.memory_space<vmem>> -> memref<1x128x128xf32, #tpu.memory_space<vmem>>
      %dma_start3A_242 = tpu.memref_squeeze %dma_start3A_241 : memref<1x128x128xf32, #tpu.memory_space<vmem>> -> memref<128x128xf32, #tpu.memory_space<vmem>>
      %dma_start3A_243 = arith.constant 0 : i32
      %dma_start3A_244 = tpu.memref_slice %arg6[%rem3A_168, %dma_start3A_238, %dma_start3A_243] : memref<4x2x128xi32, #tpu.memory_space<vmem>> -> memref<1x1x128xi32, #tpu.memory_space<vmem>>
      %dma_start3A_245 = tpu.memref_squeeze %dma_start3A_244 : memref<1x1x128xi32, #tpu.memory_space<vmem>> -> memref<128xi32, #tpu.memory_space<vmem>>
      %dma_start3A_246 = arith.constant 0 : i32
      %dma_start3A_247 = arith.constant 0 : i32
      %dma_start3A_248 = tpu.memref_slice %arg4[%dma_start3A_246, %dma_start3A_247] : memref<10000x128xf32, #tpu.memory_space<hbm>> -> memref<10000x128xf32, #tpu.memory_space<hbm>>
      %dma_start3A_249 = tpu.memref_slice %arg10[%rem3A_171] : memref<3x!tpu.dma_semaphore, #tpu.memory_space<semaphore_mem>> -> memref<1x!tpu.dma_semaphore, #tpu.memory_space<semaphore_mem>>
      %dma_start3A_250 = tpu.memref_squeeze %dma_start3A_249 : memref<1x!tpu.dma_semaphore, #tpu.memory_space<semaphore_mem>> -> memref<!tpu.dma_semaphore, #tpu.memory_space<semaphore_mem>>
      tpu.enqueue_indirect_dma source(%dma_start3A_248 : memref<10000x128xf32, #tpu.memory_space<hbm>>) target(%dma_start3A_242 : memref<128x128xf32, #tpu.memory_space<vmem>>) offsets(%dma_start3A_245 : memref<128xi32, #tpu.memory_space<vmem>>) semaphore(%dma_start3A_250 : memref<!tpu.dma_semaphore, #tpu.memory_space<semaphore_mem>>)
    } else {
    }
    %gt3A_182 = arith.constant 1 : i32
    %gt3A_183 = arith.cmpi sgt, %select_n3A_5, %gt3A_182 : i32
    %convert_element_type3A_184 = arith.extui %gt3A_183 : i1 to i32
    %cond3A_185 = arith.constant 0 : i32
    %cond3A_186 = arith.cmpi ne, %convert_element_type3A_184, %cond3A_185 : i32
    scf.if %cond3A_186 {
      %rem3A_238 = arith.constant 1 : i32
      %rem3A_239 = arith.constant 4 : i32
      %rem3A_240 = arith.remsi %rem3A_238, %rem3A_239 : i32
      %eq3A_241 = arith.constant 0 : i32
      %eq3A_242 = arith.cmpi eq, %arg0, %eq3A_241 : i32
      %and3A_243 = arith.constant false
      %and3A_244 = arith.andi %eq3A_242, %and3A_243 : i1
      %mul3A_245 = arith.constant 128 : i32
      %mul3A_246 = arith.muli %arg1, %mul3A_245 : i32
      %add3A_247 = arith.constant 319488 : i32
      %add3A_248 = arith.addi %add3A_247, %mul3A_246 : i32
      %add3A_249 = arith.constant 128 : i32
      %add3A_250 = arith.addi %select_n3A_13, %add3A_249 : i32
      %select_n3A_251 = arith.select %and3A_244, %add3A_248, %add3A_250 : i32
      %dma_wait3A_252 = arith.constant 0 : i32
      %dma_wait3A_253 = arith.constant 0 : i32
      %dma_wait3A_254 = arith.constant 0 : i32
      %dma_wait3A_255 = tpu.memref_slice %arg6[%rem3A_240, %dma_wait3A_253, %dma_wait3A_254] : memref<4x2x128xi32, #tpu.memory_space<vmem>> -> memref<1x1x128xi32, #tpu.memory_space<vmem>>
      %dma_wait3A_256 = tpu.memref_squeeze %dma_wait3A_255 : memref<1x1x128xi32, #tpu.memory_space<vmem>> -> memref<128xi32, #tpu.memory_space<vmem>>
      %dma_wait3A_257 = tpu.memref_slice %arg2[%dma_wait3A_252, %select_n3A_251] : memref<2x320000xi32, #tpu.memory_space<hbm>> -> memref<1x128xi32, #tpu.memory_space<hbm>>
      %dma_wait3A_258 = tpu.memref_squeeze %dma_wait3A_257 : memref<1x128xi32, #tpu.memory_space<hbm>> -> memref<128xi32, #tpu.memory_space<hbm>>
      %dma_wait3A_259 = tpu.memref_slice %arg9[%rem3A_240] : memref<4x!tpu.dma_semaphore, #tpu.memory_space<semaphore_mem>> -> memref<1x!tpu.dma_semaphore, #tpu.memory_space<semaphore_mem>>
      %dma_wait3A_260 = tpu.memref_squeeze %dma_wait3A_259 : memref<1x!tpu.dma_semaphore, #tpu.memory_space<semaphore_mem>> -> memref<!tpu.dma_semaphore, #tpu.memory_space<semaphore_mem>>
      %dma_wait3A_261 = arith.constant 0 : i32
      %dma_wait3A_262 = tpu.memref_slice %arg6[%rem3A_240, %dma_wait3A_253, %dma_wait3A_261] : memref<4x2x128xi32, #tpu.memory_space<vmem>> -> memref<1x1x128xi32, #tpu.memory_space<vmem>>
      %dma_wait3A_263 = tpu.memref_squeeze %dma_wait3A_262 : memref<1x1x128xi32, #tpu.memory_space<vmem>> -> memref<128xi32, #tpu.memory_space<vmem>>
      %dma_wait3A_264 = tpu.memref_slice %arg2[%dma_wait3A_252, %select_n3A_251] : memref<2x320000xi32, #tpu.memory_space<hbm>> -> memref<1x128xi32, #tpu.memory_space<hbm>>
      %dma_wait3A_265 = tpu.memref_squeeze %dma_wait3A_264 : memref<1x128xi32, #tpu.memory_space<hbm>> -> memref<128xi32, #tpu.memory_space<hbm>>
      tpu.wait_dma2 semaphore(%dma_wait3A_260 : memref<!tpu.dma_semaphore, #tpu.memory_space<semaphore_mem>>) src(%dma_wait3A_265 : memref<128xi32, #tpu.memory_space<hbm>>) dst(%dma_wait3A_263 : memref<128xi32, #tpu.memory_space<vmem>>)
      %dma_wait3A_266 = arith.constant 1 : i32
      %dma_wait3A_267 = arith.constant 1 : i32
      %dma_wait3A_268 = arith.constant 0 : i32
      %dma_wait3A_269 = tpu.memref_slice %arg6[%rem3A_240, %dma_wait3A_267, %dma_wait3A_268] : memref<4x2x128xi32, #tpu.memory_space<vmem>> -> memref<1x1x128xi32, #tpu.memory_space<vmem>>
      %dma_wait3A_270 = tpu.memref_squeeze %dma_wait3A_269 : memref<1x1x128xi32, #tpu.memory_space<vmem>> -> memref<128xi32, #tpu.memory_space<vmem>>
      %dma_wait3A_271 = tpu.memref_slice %arg2[%dma_wait3A_266, %select_n3A_251] : memref<2x320000xi32, #tpu.memory_space<hbm>> -> memref<1x128xi32, #tpu.memory_space<hbm>>
      %dma_wait3A_272 = tpu.memref_squeeze %dma_wait3A_271 : memref<1x128xi32, #tpu.memory_space<hbm>> -> memref<128xi32, #tpu.memory_space<hbm>>
      %dma_wait3A_273 = tpu.memref_slice %arg9[%rem3A_240] : memref<4x!tpu.dma_semaphore, #tpu.memory_space<semaphore_mem>> -> memref<1x!tpu.dma_semaphore, #tpu.memory_space<semaphore_mem>>
      %dma_wait3A_274 = tpu.memref_squeeze %dma_wait3A_273 : memref<1x!tpu.dma_semaphore, #tpu.memory_space<semaphore_mem>> -> memref<!tpu.dma_semaphore, #tpu.memory_space<semaphore_mem>>
      %dma_wait3A_275 = arith.constant 0 : i32
      %dma_wait3A_276 = tpu.memref_slice %arg6[%rem3A_240, %dma_wait3A_267, %dma_wait3A_275] : memref<4x2x128xi32, #tpu.memory_space<vmem>> -> memref<1x1x128xi32, #tpu.memory_space<vmem>>
      %dma_wait3A_277 = tpu.memref_squeeze %dma_wait3A_276 : memref<1x1x128xi32, #tpu.memory_space<vmem>> -> memref<128xi32, #tpu.memory_space<vmem>>
      %dma_wait3A_278 = tpu.memref_slice %arg2[%dma_wait3A_266, %select_n3A_251] : memref<2x320000xi32, #tpu.memory_space<hbm>> -> memref<1x128xi32, #tpu.memory_space<hbm>>
      %dma_wait3A_279 = tpu.memref_squeeze %dma_wait3A_278 : memref<1x128xi32, #tpu.memory_space<hbm>> -> memref<128xi32, #tpu.memory_space<hbm>>
      tpu.wait_dma2 semaphore(%dma_wait3A_274 : memref<!tpu.dma_semaphore, #tpu.memory_space<semaphore_mem>>) src(%dma_wait3A_279 : memref<128xi32, #tpu.memory_space<hbm>>) dst(%dma_wait3A_277 : memref<128xi32, #tpu.memory_space<vmem>>)
      %rem3A_280 = arith.constant 1 : i32
      %rem3A_281 = arith.constant 4 : i32
      %rem3A_282 = arith.remsi %rem3A_280, %rem3A_281 : i32
      %rem3A_283 = arith.constant 1 : i32
      %rem3A_284 = arith.constant 3 : i32
      %rem3A_285 = arith.remsi %rem3A_283, %rem3A_284 : i32
      %eq3A_286 = arith.constant 0 : i32
      %eq3A_287 = arith.cmpi eq, %arg0, %eq3A_286 : i32
      %convert_element_type3A_288 = arith.extui %eq3A_287 : i1 to i32
      %cond3A_289 = arith.constant 0 : i32
      %cond3A_290 = arith.cmpi ne, %convert_element_type3A_288, %cond3A_289 : i32
      scf.if %cond3A_290 {
        %dma_start3A_296 = arith.constant 0 : i32
        %dma_start3A_297 = arith.constant 0 : i32
        %dma_start3A_298 = arith.constant 0 : i32
        %dma_start3A_299 = tpu.memref_slice %arg7[%rem3A_285, %dma_start3A_297, %dma_start3A_298] : memref<3x128x128xf32, #tpu.memory_space<vmem>> -> memref<1x128x128xf32, #tpu.memory_space<vmem>>
        %dma_start3A_300 = tpu.memref_squeeze %dma_start3A_299 : memref<1x128x128xf32, #tpu.memory_space<vmem>> -> memref<128x128xf32, #tpu.memory_space<vmem>>
        %dma_start3A_301 = arith.constant 0 : i32
        %dma_start3A_302 = tpu.memref_slice %arg6[%rem3A_282, %dma_start3A_296, %dma_start3A_301] : memref<4x2x128xi32, #tpu.memory_space<vmem>> -> memref<1x1x128xi32, #tpu.memory_space<vmem>>
        %dma_start3A_303 = tpu.memref_squeeze %dma_start3A_302 : memref<1x1x128xi32, #tpu.memory_space<vmem>> -> memref<128xi32, #tpu.memory_space<vmem>>
        %dma_start3A_304 = arith.constant 0 : i32
        %dma_start3A_305 = arith.constant 0 : i32
        %dma_start3A_306 = tpu.memref_slice %arg3[%dma_start3A_304, %dma_start3A_305] : memref<10000x128xf32, #tpu.memory_space<hbm>> -> memref<10000x128xf32, #tpu.memory_space<hbm>>
        %dma_start3A_307 = tpu.memref_slice %arg10[%rem3A_285] : memref<3x!tpu.dma_semaphore, #tpu.memory_space<semaphore_mem>> -> memref<1x!tpu.dma_semaphore, #tpu.memory_space<semaphore_mem>>
        %dma_start3A_308 = tpu.memref_squeeze %dma_start3A_307 : memref<1x!tpu.dma_semaphore, #tpu.memory_space<semaphore_mem>> -> memref<!tpu.dma_semaphore, #tpu.memory_space<semaphore_mem>>
        tpu.enqueue_indirect_dma source(%dma_start3A_306 : memref<10000x128xf32, #tpu.memory_space<hbm>>) target(%dma_start3A_300 : memref<128x128xf32, #tpu.memory_space<vmem>>) offsets(%dma_start3A_303 : memref<128xi32, #tpu.memory_space<vmem>>) semaphore(%dma_start3A_308 : memref<!tpu.dma_semaphore, #tpu.memory_space<semaphore_mem>>)
      } else {
      }
      %ne3A_291 = arith.constant 0 : i32
      %ne3A_292 = arith.cmpi ne, %arg0, %ne3A_291 : i32
      %convert_element_type3A_293 = arith.extui %ne3A_292 : i1 to i32
      %cond3A_294 = arith.constant 0 : i32
      %cond3A_295 = arith.cmpi ne, %convert_element_type3A_293, %cond3A_294 : i32
      scf.if %cond3A_295 {
        %dma_start3A_296 = arith.constant 0 : i32
        %dma_start3A_297 = arith.constant 0 : i32
        %dma_start3A_298 = arith.constant 0 : i32
        %dma_start3A_299 = tpu.memref_slice %arg7[%rem3A_285, %dma_start3A_297, %dma_start3A_298] : memref<3x128x128xf32, #tpu.memory_space<vmem>> -> memref<1x128x128xf32, #tpu.memory_space<vmem>>
        %dma_start3A_300 = tpu.memref_squeeze %dma_start3A_299 : memref<1x128x128xf32, #tpu.memory_space<vmem>> -> memref<128x128xf32, #tpu.memory_space<vmem>>
        %dma_start3A_301 = arith.constant 0 : i32
        %dma_start3A_302 = tpu.memref_slice %arg6[%rem3A_282, %dma_start3A_296, %dma_start3A_301] : memref<4x2x128xi32, #tpu.memory_space<vmem>> -> memref<1x1x128xi32, #tpu.memory_space<vmem>>
        %dma_start3A_303 = tpu.memref_squeeze %dma_start3A_302 : memref<1x1x128xi32, #tpu.memory_space<vmem>> -> memref<128xi32, #tpu.memory_space<vmem>>
        %dma_start3A_304 = arith.constant 0 : i32
        %dma_start3A_305 = arith.constant 0 : i32
        %dma_start3A_306 = tpu.memref_slice %arg4[%dma_start3A_304, %dma_start3A_305] : memref<10000x128xf32, #tpu.memory_space<hbm>> -> memref<10000x128xf32, #tpu.memory_space<hbm>>
        %dma_start3A_307 = tpu.memref_slice %arg10[%rem3A_285] : memref<3x!tpu.dma_semaphore, #tpu.memory_space<semaphore_mem>> -> memref<1x!tpu.dma_semaphore, #tpu.memory_space<semaphore_mem>>
        %dma_start3A_308 = tpu.memref_squeeze %dma_start3A_307 : memref<1x!tpu.dma_semaphore, #tpu.memory_space<semaphore_mem>> -> memref<!tpu.dma_semaphore, #tpu.memory_space<semaphore_mem>>
        tpu.enqueue_indirect_dma source(%dma_start3A_306 : memref<10000x128xf32, #tpu.memory_space<hbm>>) target(%dma_start3A_300 : memref<128x128xf32, #tpu.memory_space<vmem>>) offsets(%dma_start3A_303 : memref<128xi32, #tpu.memory_space<vmem>>) semaphore(%dma_start3A_308 : memref<!tpu.dma_semaphore, #tpu.memory_space<semaphore_mem>>)
      } else {
      }
    } else {
    }
    %while3A = arith.constant 0 : i32
    %while3A_187 = arith.constant 0 : i32
    %while3A_188 = arith.subi %select_n3A_5, %while3A : i32
    %while3A_189 = arith.addi %while3A, %while3A_188 : i32
    %while3A_190 = arith.constant 1 : i32
    %while3A_191 = arith.divsi %while3A_188, %while3A_190 : i32
    %while3A_192 = arith.muli %while3A_191, %while3A_190 : i32
    %while3A_193 = arith.addi %while3A, %while3A_192 : i32
    %while3A_194 = arith.constant 1 : i32
    %while3A_195 = scf.for %while3A_238 = %while3A to %while3A_193 step %while3A_194 iter_args(%while3A_239 = %while3A_187) -> (i32)  : i32 {
      %rem3A_240 = arith.constant 3 : i32
      %rem3A_241 = arith.remsi %while3A_238, %rem3A_240 : i32
      %dma_wait3A_242 = arith.constant 0 : i32
      %dma_wait3A_243 = arith.constant 0 : i32
      %dma_wait3A_244 = arith.constant 0 : i32
      %dma_wait3A_245 = arith.constant 0 : i32
      %dma_wait3A_246 = tpu.memref_slice %arg7[%rem3A_241, %dma_wait3A_244, %dma_wait3A_245] : memref<3x128x128xf32, #tpu.memory_space<vmem>> -> memref<1x128x128xf32, #tpu.memory_space<vmem>>
      %dma_wait3A_247 = tpu.memref_squeeze %dma_wait3A_246 : memref<1x128x128xf32, #tpu.memory_space<vmem>> -> memref<128x128xf32, #tpu.memory_space<vmem>>
      %dma_wait3A_248 = arith.constant 0 : i32
      %dma_wait3A_249 = tpu.memref_slice %arg6[%dma_wait3A_242, %dma_wait3A_243, %dma_wait3A_248] : memref<4x2x128xi32, #tpu.memory_space<vmem>> -> memref<1x1x128xi32, #tpu.memory_space<vmem>>
      %dma_wait3A_250 = tpu.memref_squeeze %dma_wait3A_249 : memref<1x1x128xi32, #tpu.memory_space<vmem>> -> memref<128xi32, #tpu.memory_space<vmem>>
      %dma_wait3A_251 = arith.constant 0 : i32
      %dma_wait3A_252 = arith.constant 0 : i32
      %dma_wait3A_253 = tpu.memref_slice %arg3[%dma_wait3A_251, %dma_wait3A_252] : memref<10000x128xf32, #tpu.memory_space<hbm>> -> memref<10000x128xf32, #tpu.memory_space<hbm>>
      %dma_wait3A_254 = tpu.memref_slice %arg10[%rem3A_241] : memref<3x!tpu.dma_semaphore, #tpu.memory_space<semaphore_mem>> -> memref<1x!tpu.dma_semaphore, #tpu.memory_space<semaphore_mem>>
      %dma_wait3A_255 = tpu.memref_squeeze %dma_wait3A_254 : memref<1x!tpu.dma_semaphore, #tpu.memory_space<semaphore_mem>> -> memref<!tpu.dma_semaphore, #tpu.memory_space<semaphore_mem>>
      tpu.wait_indirect_dma semaphore(%dma_wait3A_255 : memref<!tpu.dma_semaphore, #tpu.memory_space<semaphore_mem>>) src(%dma_wait3A_253 : memref<10000x128xf32, #tpu.memory_space<hbm>>) dst(%dma_wait3A_247 : memref<128x128xf32, #tpu.memory_space<vmem>>)
      %ge3A = arith.constant 1 : i32
      %ge3A_256 = arith.cmpi sge, %while3A_238, %ge3A : i32
      %convert_element_type3A_257 = arith.extui %ge3A_256 : i1 to i32
      %cond3A_258 = arith.constant 0 : i32
      %cond3A_259 = arith.cmpi ne, %convert_element_type3A_257, %cond3A_258 : i32
      scf.if %cond3A_259 {
        %dma_wait3A_288 = arith.constant 0 : i32
        %dma_wait3A_289 = arith.constant 0 : i32
        %dma_wait3A_290 = arith.constant 1 : i32
        %dma_wait3A_291 = arith.constant 0 : i32
        %dma_wait3A_292 = arith.constant 0 : i32
        %dma_wait3A_293 = tpu.memref_slice %arg7[%dma_wait3A_288, %dma_wait3A_291, %dma_wait3A_292] : memref<3x128x128xf32, #tpu.memory_space<vmem>> -> memref<1x128x128xf32, #tpu.memory_space<vmem>>
        %dma_wait3A_294 = tpu.memref_squeeze %dma_wait3A_293 : memref<1x128x128xf32, #tpu.memory_space<vmem>> -> memref<128x128xf32, #tpu.memory_space<vmem>>
        %dma_wait3A_295 = arith.constant 0 : i32
        %dma_wait3A_296 = tpu.memref_slice %arg6[%dma_wait3A_289, %dma_wait3A_290, %dma_wait3A_295] : memref<4x2x128xi32, #tpu.memory_space<vmem>> -> memref<1x1x128xi32, #tpu.memory_space<vmem>>
        %dma_wait3A_297 = tpu.memref_squeeze %dma_wait3A_296 : memref<1x1x128xi32, #tpu.memory_space<vmem>> -> memref<128xi32, #tpu.memory_space<vmem>>
        %dma_wait3A_298 = arith.constant 0 : i32
        %dma_wait3A_299 = arith.constant 0 : i32
        %dma_wait3A_300 = tpu.memref_slice %arg8[%dma_wait3A_298, %dma_wait3A_299] : memref<10048x128xf32, #tpu.memory_space<vmem_shared>> -> memref<10048x128xf32, #tpu.memory_space<vmem_shared>>
        tpu.wait_indirect_dma semaphore(%arg11 : memref<!tpu.dma_semaphore, #tpu.memory_space<semaphore_mem>>) src(%dma_wait3A_294 : memref<128x128xf32, #tpu.memory_space<vmem>>) dst(%dma_wait3A_300 : memref<10048x128xf32, #tpu.memory_space<vmem_shared>>)
      } else {
      }
      %add3A_260 = arith.constant 2 : i32
      %add3A_261 = arith.addi %while3A_238, %add3A_260 : i32
      %lt3A_262 = arith.cmpi slt, %add3A_261, %select_n3A_5 : i32
      %convert_element_type3A_263 = arith.extui %lt3A_262 : i1 to i32
      %cond3A_264 = arith.constant 0 : i32
      %cond3A_265 = arith.cmpi ne, %convert_element_type3A_263, %cond3A_264 : i32
      scf.if %cond3A_265 {
        %add3A_288 = arith.constant 2 : i32
        %add3A_289 = arith.addi %while3A_238, %add3A_288 : i32
        %rem3A_290 = arith.constant 4 : i32
        %rem3A_291 = arith.remsi %add3A_289, %rem3A_290 : i32
        %eq3A_292 = arith.constant 0 : i32
        %eq3A_293 = arith.cmpi eq, %arg0, %eq3A_292 : i32
        %ge3A_294 = arith.constant 78 : i32
        %ge3A_295 = arith.cmpi sge, %add3A_289, %ge3A_294 : i32
        %and3A_296 = arith.andi %eq3A_293, %ge3A_295 : i1
        %mul3A_297 = arith.constant 128 : i32
        %mul3A_298 = arith.muli %arg1, %mul3A_297 : i32
        %add3A_299 = arith.constant 319488 : i32
        %add3A_300 = arith.addi %add3A_299, %mul3A_298 : i32
        %mul3A_301 = arith.constant 128 : i32
        %mul3A_302 = arith.muli %add3A_289, %mul3A_301 : i32
        %add3A_303 = arith.addi %select_n3A_13, %mul3A_302 : i32
        %select_n3A_304 = arith.select %and3A_296, %add3A_300, %add3A_303 : i32
        %dma_wait3A_305 = arith.constant 0 : i32
        %dma_wait3A_306 = arith.constant 0 : i32
        %dma_wait3A_307 = arith.constant 0 : i32
        %dma_wait3A_308 = tpu.memref_slice %arg6[%rem3A_291, %dma_wait3A_306, %dma_wait3A_307] : memref<4x2x128xi32, #tpu.memory_space<vmem>> -> memref<1x1x128xi32, #tpu.memory_space<vmem>>
        %dma_wait3A_309 = tpu.memref_squeeze %dma_wait3A_308 : memref<1x1x128xi32, #tpu.memory_space<vmem>> -> memref<128xi32, #tpu.memory_space<vmem>>
        %dma_wait3A_310 = tpu.memref_slice %arg2[%dma_wait3A_305, %select_n3A_304] : memref<2x320000xi32, #tpu.memory_space<hbm>> -> memref<1x128xi32, #tpu.memory_space<hbm>>
        %dma_wait3A_311 = tpu.memref_squeeze %dma_wait3A_310 : memref<1x128xi32, #tpu.memory_space<hbm>> -> memref<128xi32, #tpu.memory_space<hbm>>
        %dma_wait3A_312 = tpu.memref_slice %arg9[%rem3A_291] : memref<4x!tpu.dma_semaphore, #tpu.memory_space<semaphore_mem>> -> memref<1x!tpu.dma_semaphore, #tpu.memory_space<semaphore_mem>>
        %dma_wait3A_313 = tpu.memref_squeeze %dma_wait3A_312 : memref<1x!tpu.dma_semaphore, #tpu.memory_space<semaphore_mem>> -> memref<!tpu.dma_semaphore, #tpu.memory_space<semaphore_mem>>
        %dma_wait3A_314 = arith.constant 0 : i32
        %dma_wait3A_315 = tpu.memref_slice %arg6[%rem3A_291, %dma_wait3A_306, %dma_wait3A_314] : memref<4x2x128xi32, #tpu.memory_space<vmem>> -> memref<1x1x128xi32, #tpu.memory_space<vmem>>
        %dma_wait3A_316 = tpu.memref_squeeze %dma_wait3A_315 : memref<1x1x128xi32, #tpu.memory_space<vmem>> -> memref<128xi32, #tpu.memory_space<vmem>>
        %dma_wait3A_317 = tpu.memref_slice %arg2[%dma_wait3A_305, %select_n3A_304] : memref<2x320000xi32, #tpu.memory_space<hbm>> -> memref<1x128xi32, #tpu.memory_space<hbm>>
        %dma_wait3A_318 = tpu.memref_squeeze %dma_wait3A_317 : memref<1x128xi32, #tpu.memory_space<hbm>> -> memref<128xi32, #tpu.memory_space<hbm>>
        tpu.wait_dma2 semaphore(%dma_wait3A_313 : memref<!tpu.dma_semaphore, #tpu.memory_space<semaphore_mem>>) src(%dma_wait3A_318 : memref<128xi32, #tpu.memory_space<hbm>>) dst(%dma_wait3A_316 : memref<128xi32, #tpu.memory_space<vmem>>)
        %dma_wait3A_319 = arith.constant 1 : i32
        %dma_wait3A_320 = arith.constant 1 : i32
        %dma_wait3A_321 = arith.constant 0 : i32
        %dma_wait3A_322 = tpu.memref_slice %arg6[%rem3A_291, %dma_wait3A_320, %dma_wait3A_321] : memref<4x2x128xi32, #tpu.memory_space<vmem>> -> memref<1x1x128xi32, #tpu.memory_space<vmem>>
        %dma_wait3A_323 = tpu.memref_squeeze %dma_wait3A_322 : memref<1x1x128xi32, #tpu.memory_space<vmem>> -> memref<128xi32, #tpu.memory_space<vmem>>
        %dma_wait3A_324 = tpu.memref_slice %arg2[%dma_wait3A_319, %select_n3A_304] : memref<2x320000xi32, #tpu.memory_space<hbm>> -> memref<1x128xi32, #tpu.memory_space<hbm>>
        %dma_wait3A_325 = tpu.memref_squeeze %dma_wait3A_324 : memref<1x128xi32, #tpu.memory_space<hbm>> -> memref<128xi32, #tpu.memory_space<hbm>>
        %dma_wait3A_326 = tpu.memref_slice %arg9[%rem3A_291] : memref<4x!tpu.dma_semaphore, #tpu.memory_space<semaphore_mem>> -> memref<1x!tpu.dma_semaphore, #tpu.memory_space<semaphore_mem>>
        %dma_wait3A_327 = tpu.memref_squeeze %dma_wait3A_326 : memref<1x!tpu.dma_semaphore, #tpu.memory_space<semaphore_mem>> -> memref<!tpu.dma_semaphore, #tpu.memory_space<semaphore_mem>>
        %dma_wait3A_328 = arith.constant 0 : i32
        %dma_wait3A_329 = tpu.memref_slice %arg6[%rem3A_291, %dma_wait3A_320, %dma_wait3A_328] : memref<4x2x128xi32, #tpu.memory_space<vmem>> -> memref<1x1x128xi32, #tpu.memory_space<vmem>>
        %dma_wait3A_330 = tpu.memref_squeeze %dma_wait3A_329 : memref<1x1x128xi32, #tpu.memory_space<vmem>> -> memref<128xi32, #tpu.memory_space<vmem>>
        %dma_wait3A_331 = tpu.memref_slice %arg2[%dma_wait3A_319, %select_n3A_304] : memref<2x320000xi32, #tpu.memory_space<hbm>> -> memref<1x128xi32, #tpu.memory_space<hbm>>
        %dma_wait3A_332 = tpu.memref_squeeze %dma_wait3A_331 : memref<1x128xi32, #tpu.memory_space<hbm>> -> memref<128xi32, #tpu.memory_space<hbm>>
        tpu.wait_dma2 semaphore(%dma_wait3A_327 : memref<!tpu.dma_semaphore, #tpu.memory_space<semaphore_mem>>) src(%dma_wait3A_332 : memref<128xi32, #tpu.memory_space<hbm>>) dst(%dma_wait3A_330 : memref<128xi32, #tpu.memory_space<vmem>>)
        %add3A_333 = arith.constant 2 : i32
        %add3A_334 = arith.addi %while3A_238, %add3A_333 : i32
        %rem3A_335 = arith.constant 4 : i32
        %rem3A_336 = arith.remsi %add3A_334, %rem3A_335 : i32
        %rem3A_337 = arith.constant 3 : i32
        %rem3A_338 = arith.remsi %add3A_334, %rem3A_337 : i32
        %eq3A_339 = arith.constant 0 : i32
        %eq3A_340 = arith.cmpi eq, %arg0, %eq3A_339 : i32
        %convert_element_type3A_341 = arith.extui %eq3A_340 : i1 to i32
        %cond3A_342 = arith.constant 0 : i32
        %cond3A_343 = arith.cmpi ne, %convert_element_type3A_341, %cond3A_342 : i32
        scf.if %cond3A_343 {
          %dma_start3A_349 = arith.constant 0 : i32
          %dma_start3A_350 = arith.constant 0 : i32
          %dma_start3A_351 = arith.constant 0 : i32
          %dma_start3A_352 = tpu.memref_slice %arg7[%rem3A_338, %dma_start3A_350, %dma_start3A_351] : memref<3x128x128xf32, #tpu.memory_space<vmem>> -> memref<1x128x128xf32, #tpu.memory_space<vmem>>
          %dma_start3A_353 = tpu.memref_squeeze %dma_start3A_352 : memref<1x128x128xf32, #tpu.memory_space<vmem>> -> memref<128x128xf32, #tpu.memory_space<vmem>>
          %dma_start3A_354 = arith.constant 0 : i32
          %dma_start3A_355 = tpu.memref_slice %arg6[%rem3A_336, %dma_start3A_349, %dma_start3A_354] : memref<4x2x128xi32, #tpu.memory_space<vmem>> -> memref<1x1x128xi32, #tpu.memory_space<vmem>>
          %dma_start3A_356 = tpu.memref_squeeze %dma_start3A_355 : memref<1x1x128xi32, #tpu.memory_space<vmem>> -> memref<128xi32, #tpu.memory_space<vmem>>
          %dma_start3A_357 = arith.constant 0 : i32
          %dma_start3A_358 = arith.constant 0 : i32
          %dma_start3A_359 = tpu.memref_slice %arg3[%dma_start3A_357, %dma_start3A_358] : memref<10000x128xf32, #tpu.memory_space<hbm>> -> memref<10000x128xf32, #tpu.memory_space<hbm>>
          %dma_start3A_360 = tpu.memref_slice %arg10[%rem3A_338] : memref<3x!tpu.dma_semaphore, #tpu.memory_space<semaphore_mem>> -> memref<1x!tpu.dma_semaphore, #tpu.memory_space<semaphore_mem>>
          %dma_start3A_361 = tpu.memref_squeeze %dma_start3A_360 : memref<1x!tpu.dma_semaphore, #tpu.memory_space<semaphore_mem>> -> memref<!tpu.dma_semaphore, #tpu.memory_space<semaphore_mem>>
          tpu.enqueue_indirect_dma source(%dma_start3A_359 : memref<10000x128xf32, #tpu.memory_space<hbm>>) target(%dma_start3A_353 : memref<128x128xf32, #tpu.memory_space<vmem>>) offsets(%dma_start3A_356 : memref<128xi32, #tpu.memory_space<vmem>>) semaphore(%dma_start3A_361 : memref<!tpu.dma_semaphore, #tpu.memory_space<semaphore_mem>>)
        } else {
        }
        %ne3A_344 = arith.constant 0 : i32
        %ne3A_345 = arith.cmpi ne, %arg0, %ne3A_344 : i32
        %convert_element_type3A_346 = arith.extui %ne3A_345 : i1 to i32
        %cond3A_347 = arith.constant 0 : i32
        %cond3A_348 = arith.cmpi ne, %convert_element_type3A_346, %cond3A_347 : i32
        scf.if %cond3A_348 {
          %dma_start3A_349 = arith.constant 0 : i32
          %dma_start3A_350 = arith.constant 0 : i32
          %dma_start3A_351 = arith.constant 0 : i32
          %dma_start3A_352 = tpu.memref_slice %arg7[%rem3A_338, %dma_start3A_350, %dma_start3A_351] : memref<3x128x128xf32, #tpu.memory_space<vmem>> -> memref<1x128x128xf32, #tpu.memory_space<vmem>>
          %dma_start3A_353 = tpu.memref_squeeze %dma_start3A_352 : memref<1x128x128xf32, #tpu.memory_space<vmem>> -> memref<128x128xf32, #tpu.memory_space<vmem>>
          %dma_start3A_354 = arith.constant 0 : i32
          %dma_start3A_355 = tpu.memref_slice %arg6[%rem3A_336, %dma_start3A_349, %dma_start3A_354] : memref<4x2x128xi32, #tpu.memory_space<vmem>> -> memref<1x1x128xi32, #tpu.memory_space<vmem>>
          %dma_start3A_356 = tpu.memref_squeeze %dma_start3A_355 : memref<1x1x128xi32, #tpu.memory_space<vmem>> -> memref<128xi32, #tpu.memory_space<vmem>>
          %dma_start3A_357 = arith.constant 0 : i32
          %dma_start3A_358 = arith.constant 0 : i32
          %dma_start3A_359 = tpu.memref_slice %arg4[%dma_start3A_357, %dma_start3A_358] : memref<10000x128xf32, #tpu.memory_space<hbm>> -> memref<10000x128xf32, #tpu.memory_space<hbm>>
          %dma_start3A_360 = tpu.memref_slice %arg10[%rem3A_338] : memref<3x!tpu.dma_semaphore, #tpu.memory_space<semaphore_mem>> -> memref<1x!tpu.dma_semaphore, #tpu.memory_space<semaphore_mem>>
          %dma_start3A_361 = tpu.memref_squeeze %dma_start3A_360 : memref<1x!tpu.dma_semaphore, #tpu.memory_space<semaphore_mem>> -> memref<!tpu.dma_semaphore, #tpu.memory_space<semaphore_mem>>
          tpu.enqueue_indirect_dma source(%dma_start3A_359 : memref<10000x128xf32, #tpu.memory_space<hbm>>) target(%dma_start3A_353 : memref<128x128xf32, #tpu.memory_space<vmem>>) offsets(%dma_start3A_356 : memref<128xi32, #tpu.memory_space<vmem>>) semaphore(%dma_start3A_361 : memref<!tpu.dma_semaphore, #tpu.memory_space<semaphore_mem>>)
        } else {
        }
      } else {
      }
      %rem3A_266 = arith.constant 4 : i32
      %rem3A_267 = arith.remsi %while3A_238, %rem3A_266 : i32
      %rem3A_268 = arith.constant 3 : i32
      %rem3A_269 = arith.remsi %while3A_238, %rem3A_268 : i32
      %dma_start3A_270 = arith.constant 1 : i32
      %dma_start3A_271 = arith.constant 0 : i32
      %dma_start3A_272 = arith.constant 0 : i32
      %dma_start3A_273 = tpu.memref_slice %arg7[%rem3A_269, %dma_start3A_271, %dma_start3A_272] : memref<3x128x128xf32, #tpu.memory_space<vmem>> -> memref<1x128x128xf32, #tpu.memory_space<vmem>>
      %dma_start3A_274 = tpu.memref_squeeze %dma_start3A_273 : memref<1x128x128xf32, #tpu.memory_space<vmem>> -> memref<128x128xf32, #tpu.memory_space<vmem>>
      %dma_start3A_275 = arith.constant 0 : i32
      %dma_start3A_276 = tpu.memref_slice %arg6[%rem3A_267, %dma_start3A_270, %dma_start3A_275] : memref<4x2x128xi32, #tpu.memory_space<vmem>> -> memref<1x1x128xi32, #tpu.memory_space<vmem>>
      %dma_start3A_277 = tpu.memref_squeeze %dma_start3A_276 : memref<1x1x128xi32, #tpu.memory_space<vmem>> -> memref<128xi32, #tpu.memory_space<vmem>>
      %dma_start3A_278 = arith.constant 0 : i32
      %dma_start3A_279 = arith.constant 0 : i32
      %dma_start3A_280 = tpu.memref_slice %arg8[%dma_start3A_278, %dma_start3A_279] : memref<10048x128xf32, #tpu.memory_space<vmem_shared>> -> memref<10048x128xf32, #tpu.memory_space<vmem_shared>>
      tpu.enqueue_indirect_dma source(%dma_start3A_274 : memref<128x128xf32, #tpu.memory_space<vmem>>) target(%dma_start3A_280 : memref<10048x128xf32, #tpu.memory_space<vmem_shared>>) offsets(%dma_start3A_277 : memref<128xi32, #tpu.memory_space<vmem>>) semaphore(%arg11 : memref<!tpu.dma_semaphore, #tpu.memory_space<semaphore_mem>>) {add = true}
      %add3A_281 = arith.constant 3 : i32
      %add3A_282 = arith.addi %while3A_238, %add3A_281 : i32
      %lt3A_283 = arith.cmpi slt, %add3A_282, %select_n3A_5 : i32
      %convert_element_type3A_284 = arith.extui %lt3A_283 : i1 to i32
      %cond3A_285 = arith.constant 0 : i32
      %cond3A_286 = arith.cmpi ne, %convert_element_type3A_284, %cond3A_285 : i32
      scf.if %cond3A_286 {
        %add3A_288 = arith.constant 3 : i32
        %add3A_289 = arith.addi %while3A_238, %add3A_288 : i32
        %rem3A_290 = arith.constant 4 : i32
        %rem3A_291 = arith.remsi %add3A_289, %rem3A_290 : i32
        %eq3A_292 = arith.constant 0 : i32
        %eq3A_293 = arith.cmpi eq, %arg0, %eq3A_292 : i32
        %ge3A_294 = arith.constant 78 : i32
        %ge3A_295 = arith.cmpi sge, %add3A_289, %ge3A_294 : i32
        %and3A_296 = arith.andi %eq3A_293, %ge3A_295 : i1
        %mul3A_297 = arith.constant 128 : i32
        %mul3A_298 = arith.muli %arg1, %mul3A_297 : i32
        %add3A_299 = arith.constant 319488 : i32
        %add3A_300 = arith.addi %add3A_299, %mul3A_298 : i32
        %mul3A_301 = arith.constant 128 : i32
        %mul3A_302 = arith.muli %add3A_289, %mul3A_301 : i32
        %add3A_303 = arith.addi %select_n3A_13, %mul3A_302 : i32
        %select_n3A_304 = arith.select %and3A_296, %add3A_300, %add3A_303 : i32
        %dma_start3A_305 = arith.constant 0 : i32
        %dma_start3A_306 = arith.constant 0 : i32
        %dma_start3A_307 = arith.constant 0 : i32
        %dma_start3A_308 = tpu.memref_slice %arg6[%rem3A_291, %dma_start3A_306, %dma_start3A_307] : memref<4x2x128xi32, #tpu.memory_space<vmem>> -> memref<1x1x128xi32, #tpu.memory_space<vmem>>
        %dma_start3A_309 = tpu.memref_squeeze %dma_start3A_308 : memref<1x1x128xi32, #tpu.memory_space<vmem>> -> memref<128xi32, #tpu.memory_space<vmem>>
        %dma_start3A_310 = tpu.memref_slice %arg2[%dma_start3A_305, %select_n3A_304] : memref<2x320000xi32, #tpu.memory_space<hbm>> -> memref<1x128xi32, #tpu.memory_space<hbm>>
        %dma_start3A_311 = tpu.memref_squeeze %dma_start3A_310 : memref<1x128xi32, #tpu.memory_space<hbm>> -> memref<128xi32, #tpu.memory_space<hbm>>
        %dma_start3A_312 = tpu.memref_slice %arg9[%rem3A_291] : memref<4x!tpu.dma_semaphore, #tpu.memory_space<semaphore_mem>> -> memref<1x!tpu.dma_semaphore, #tpu.memory_space<semaphore_mem>>
        %dma_start3A_313 = tpu.memref_squeeze %dma_start3A_312 : memref<1x!tpu.dma_semaphore, #tpu.memory_space<semaphore_mem>> -> memref<!tpu.dma_semaphore, #tpu.memory_space<semaphore_mem>>
        %dma_start3A_314 = arith.constant 0 : i32
        %dma_start3A_315 = tpu.memref_slice %arg6[%rem3A_291, %dma_start3A_306, %dma_start3A_314] : memref<4x2x128xi32, #tpu.memory_space<vmem>> -> memref<1x1x128xi32, #tpu.memory_space<vmem>>
        %dma_start3A_316 = tpu.memref_squeeze %dma_start3A_315 : memref<1x1x128xi32, #tpu.memory_space<vmem>> -> memref<128xi32, #tpu.memory_space<vmem>>
        %dma_start3A_317 = tpu.memref_slice %arg2[%dma_start3A_305, %select_n3A_304] : memref<2x320000xi32, #tpu.memory_space<hbm>> -> memref<1x128xi32, #tpu.memory_space<hbm>>
        %dma_start3A_318 = tpu.memref_squeeze %dma_start3A_317 : memref<1x128xi32, #tpu.memory_space<hbm>> -> memref<128xi32, #tpu.memory_space<hbm>>
        tpu.enqueue_dma source(%dma_start3A_318 : memref<128xi32, #tpu.memory_space<hbm>>) target(%dma_start3A_316 : memref<128xi32, #tpu.memory_space<vmem>>) target_semaphore(%dma_start3A_313 : memref<!tpu.dma_semaphore, #tpu.memory_space<semaphore_mem>>)
        %dma_start3A_319 = arith.constant 1 : i32
        %dma_start3A_320 = arith.constant 1 : i32
        %dma_start3A_321 = arith.constant 0 : i32
        %dma_start3A_322 = tpu.memref_slice %arg6[%rem3A_291, %dma_start3A_320, %dma_start3A_321] : memref<4x2x128xi32, #tpu.memory_space<vmem>> -> memref<1x1x128xi32, #tpu.memory_space<vmem>>
        %dma_start3A_323 = tpu.memref_squeeze %dma_start3A_322 : memref<1x1x128xi32, #tpu.memory_space<vmem>> -> memref<128xi32, #tpu.memory_space<vmem>>
        %dma_start3A_324 = tpu.memref_slice %arg2[%dma_start3A_319, %select_n3A_304] : memref<2x320000xi32, #tpu.memory_space<hbm>> -> memref<1x128xi32, #tpu.memory_space<hbm>>
        %dma_start3A_325 = tpu.memref_squeeze %dma_start3A_324 : memref<1x128xi32, #tpu.memory_space<hbm>> -> memref<128xi32, #tpu.memory_space<hbm>>
        %dma_start3A_326 = tpu.memref_slice %arg9[%rem3A_291] : memref<4x!tpu.dma_semaphore, #tpu.memory_space<semaphore_mem>> -> memref<1x!tpu.dma_semaphore, #tpu.memory_space<semaphore_mem>>
        %dma_start3A_327 = tpu.memref_squeeze %dma_start3A_326 : memref<1x!tpu.dma_semaphore, #tpu.memory_space<semaphore_mem>> -> memref<!tpu.dma_semaphore, #tpu.memory_space<semaphore_mem>>
        %dma_start3A_328 = arith.constant 0 : i32
        %dma_start3A_329 = tpu.memref_slice %arg6[%rem3A_291, %dma_start3A_320, %dma_start3A_328] : memref<4x2x128xi32, #tpu.memory_space<vmem>> -> memref<1x1x128xi32, #tpu.memory_space<vmem>>
        %dma_start3A_330 = tpu.memref_squeeze %dma_start3A_329 : memref<1x1x128xi32, #tpu.memory_space<vmem>> -> memref<128xi32, #tpu.memory_space<vmem>>
        %dma_start3A_331 = tpu.memref_slice %arg2[%dma_start3A_319, %select_n3A_304] : memref<2x320000xi32, #tpu.memory_space<hbm>> -> memref<1x128xi32, #tpu.memory_space<hbm>>
        %dma_start3A_332 = tpu.memref_squeeze %dma_start3A_331 : memref<1x128xi32, #tpu.memory_space<hbm>> -> memref<128xi32, #tpu.memory_space<hbm>>
        tpu.enqueue_dma source(%dma_start3A_332 : memref<128xi32, #tpu.memory_space<hbm>>) target(%dma_start3A_330 : memref<128xi32, #tpu.memory_space<vmem>>) target_semaphore(%dma_start3A_327 : memref<!tpu.dma_semaphore, #tpu.memory_space<semaphore_mem>>)
      } else {
      }
      %while3A_287 = arith.constant 0 : i32
      scf.yield %while3A_287 : i32
    }
    %while3A_196 = arith.constant 1 : i32
    %while3A_197 = scf.for %while3A_238 = %while3A_193 to %while3A_189 step %while3A_196 iter_args(%while3A_239 = %while3A_195) -> (i32)  : i32 {
      %rem3A_240 = arith.constant 3 : i32
      %rem3A_241 = arith.remsi %while3A_238, %rem3A_240 : i32
      %dma_wait3A_242 = arith.constant 0 : i32
      %dma_wait3A_243 = arith.constant 0 : i32
      %dma_wait3A_244 = arith.constant 0 : i32
      %dma_wait3A_245 = arith.constant 0 : i32
      %dma_wait3A_246 = tpu.memref_slice %arg7[%rem3A_241, %dma_wait3A_244, %dma_wait3A_245] : memref<3x128x128xf32, #tpu.memory_space<vmem>> -> memref<1x128x128xf32, #tpu.memory_space<vmem>>
      %dma_wait3A_247 = tpu.memref_squeeze %dma_wait3A_246 : memref<1x128x128xf32, #tpu.memory_space<vmem>> -> memref<128x128xf32, #tpu.memory_space<vmem>>
      %dma_wait3A_248 = arith.constant 0 : i32
      %dma_wait3A_249 = tpu.memref_slice %arg6[%dma_wait3A_242, %dma_wait3A_243, %dma_wait3A_248] : memref<4x2x128xi32, #tpu.memory_space<vmem>> -> memref<1x1x128xi32, #tpu.memory_space<vmem>>
      %dma_wait3A_250 = tpu.memref_squeeze %dma_wait3A_249 : memref<1x1x128xi32, #tpu.memory_space<vmem>> -> memref<128xi32, #tpu.memory_space<vmem>>
      %dma_wait3A_251 = arith.constant 0 : i32
      %dma_wait3A_252 = arith.constant 0 : i32
      %dma_wait3A_253 = tpu.memref_slice %arg3[%dma_wait3A_251, %dma_wait3A_252] : memref<10000x128xf32, #tpu.memory_space<hbm>> -> memref<10000x128xf32, #tpu.memory_space<hbm>>
      %dma_wait3A_254 = tpu.memref_slice %arg10[%rem3A_241] : memref<3x!tpu.dma_semaphore, #tpu.memory_space<semaphore_mem>> -> memref<1x!tpu.dma_semaphore, #tpu.memory_space<semaphore_mem>>
      %dma_wait3A_255 = tpu.memref_squeeze %dma_wait3A_254 : memref<1x!tpu.dma_semaphore, #tpu.memory_space<semaphore_mem>> -> memref<!tpu.dma_semaphore, #tpu.memory_space<semaphore_mem>>
      tpu.wait_indirect_dma semaphore(%dma_wait3A_255 : memref<!tpu.dma_semaphore, #tpu.memory_space<semaphore_mem>>) src(%dma_wait3A_253 : memref<10000x128xf32, #tpu.memory_space<hbm>>) dst(%dma_wait3A_247 : memref<128x128xf32, #tpu.memory_space<vmem>>)
      %ge3A = arith.constant 1 : i32
      %ge3A_256 = arith.cmpi sge, %while3A_238, %ge3A : i32
      %convert_element_type3A_257 = arith.extui %ge3A_256 : i1 to i32
      %cond3A_258 = arith.constant 0 : i32
      %cond3A_259 = arith.cmpi ne, %convert_element_type3A_257, %cond3A_258 : i32
      scf.if %cond3A_259 {
        %dma_wait3A_288 = arith.constant 0 : i32
        %dma_wait3A_289 = arith.constant 0 : i32
        %dma_wait3A_290 = arith.constant 1 : i32
        %dma_wait3A_291 = arith.constant 0 : i32
        %dma_wait3A_292 = arith.constant 0 : i32
        %dma_wait3A_293 = tpu.memref_slice %arg7[%dma_wait3A_288, %dma_wait3A_291, %dma_wait3A_292] : memref<3x128x128xf32, #tpu.memory_space<vmem>> -> memref<1x128x128xf32, #tpu.memory_space<vmem>>
        %dma_wait3A_294 = tpu.memref_squeeze %dma_wait3A_293 : memref<1x128x128xf32, #tpu.memory_space<vmem>> -> memref<128x128xf32, #tpu.memory_space<vmem>>
        %dma_wait3A_295 = arith.constant 0 : i32
        %dma_wait3A_296 = tpu.memref_slice %arg6[%dma_wait3A_289, %dma_wait3A_290, %dma_wait3A_295] : memref<4x2x128xi32, #tpu.memory_space<vmem>> -> memref<1x1x128xi32, #tpu.memory_space<vmem>>
        %dma_wait3A_297 = tpu.memref_squeeze %dma_wait3A_296 : memref<1x1x128xi32, #tpu.memory_space<vmem>> -> memref<128xi32, #tpu.memory_space<vmem>>
        %dma_wait3A_298 = arith.constant 0 : i32
        %dma_wait3A_299 = arith.constant 0 : i32
        %dma_wait3A_300 = tpu.memref_slice %arg8[%dma_wait3A_298, %dma_wait3A_299] : memref<10048x128xf32, #tpu.memory_space<vmem_shared>> -> memref<10048x128xf32, #tpu.memory_space<vmem_shared>>
        tpu.wait_indirect_dma semaphore(%arg11 : memref<!tpu.dma_semaphore, #tpu.memory_space<semaphore_mem>>) src(%dma_wait3A_294 : memref<128x128xf32, #tpu.memory_space<vmem>>) dst(%dma_wait3A_300 : memref<10048x128xf32, #tpu.memory_space<vmem_shared>>)
      } else {
      }
      %add3A_260 = arith.constant 2 : i32
      %add3A_261 = arith.addi %while3A_238, %add3A_260 : i32
      %lt3A_262 = arith.cmpi slt, %add3A_261, %select_n3A_5 : i32
      %convert_element_type3A_263 = arith.extui %lt3A_262 : i1 to i32
      %cond3A_264 = arith.constant 0 : i32
      %cond3A_265 = arith.cmpi ne, %convert_element_type3A_263, %cond3A_264 : i32
      scf.if %cond3A_265 {
        %add3A_288 = arith.constant 2 : i32
        %add3A_289 = arith.addi %while3A_238, %add3A_288 : i32
        %rem3A_290 = arith.constant 4 : i32
        %rem3A_291 = arith.remsi %add3A_289, %rem3A_290 : i32
        %eq3A_292 = arith.constant 0 : i32
        %eq3A_293 = arith.cmpi eq, %arg0, %eq3A_292 : i32
        %ge3A_294 = arith.constant 78 : i32
        %ge3A_295 = arith.cmpi sge, %add3A_289, %ge3A_294 : i32
        %and3A_296 = arith.andi %eq3A_293, %ge3A_295 : i1
        %mul3A_297 = arith.constant 128 : i32
        %mul3A_298 = arith.muli %arg1, %mul3A_297 : i32
        %add3A_299 = arith.constant 319488 : i32
        %add3A_300 = arith.addi %add3A_299, %mul3A_298 : i32
        %mul3A_301 = arith.constant 128 : i32
        %mul3A_302 = arith.muli %add3A_289, %mul3A_301 : i32
        %add3A_303 = arith.addi %select_n3A_13, %mul3A_302 : i32
        %select_n3A_304 = arith.select %and3A_296, %add3A_300, %add3A_303 : i32
        %dma_wait3A_305 = arith.constant 0 : i32
        %dma_wait3A_306 = arith.constant 0 : i32
        %dma_wait3A_307 = arith.constant 0 : i32
        %dma_wait3A_308 = tpu.memref_slice %arg6[%rem3A_291, %dma_wait3A_306, %dma_wait3A_307] : memref<4x2x128xi32, #tpu.memory_space<vmem>> -> memref<1x1x128xi32, #tpu.memory_space<vmem>>
        %dma_wait3A_309 = tpu.memref_squeeze %dma_wait3A_308 : memref<1x1x128xi32, #tpu.memory_space<vmem>> -> memref<128xi32, #tpu.memory_space<vmem>>
        %dma_wait3A_310 = tpu.memref_slice %arg2[%dma_wait3A_305, %select_n3A_304] : memref<2x320000xi32, #tpu.memory_space<hbm>> -> memref<1x128xi32, #tpu.memory_space<hbm>>
        %dma_wait3A_311 = tpu.memref_squeeze %dma_wait3A_310 : memref<1x128xi32, #tpu.memory_space<hbm>> -> memref<128xi32, #tpu.memory_space<hbm>>
        %dma_wait3A_312 = tpu.memref_slice %arg9[%rem3A_291] : memref<4x!tpu.dma_semaphore, #tpu.memory_space<semaphore_mem>> -> memref<1x!tpu.dma_semaphore, #tpu.memory_space<semaphore_mem>>
        %dma_wait3A_313 = tpu.memref_squeeze %dma_wait3A_312 : memref<1x!tpu.dma_semaphore, #tpu.memory_space<semaphore_mem>> -> memref<!tpu.dma_semaphore, #tpu.memory_space<semaphore_mem>>
        %dma_wait3A_314 = arith.constant 0 : i32
        %dma_wait3A_315 = tpu.memref_slice %arg6[%rem3A_291, %dma_wait3A_306, %dma_wait3A_314] : memref<4x2x128xi32, #tpu.memory_space<vmem>> -> memref<1x1x128xi32, #tpu.memory_space<vmem>>
        %dma_wait3A_316 = tpu.memref_squeeze %dma_wait3A_315 : memref<1x1x128xi32, #tpu.memory_space<vmem>> -> memref<128xi32, #tpu.memory_space<vmem>>
        %dma_wait3A_317 = tpu.memref_slice %arg2[%dma_wait3A_305, %select_n3A_304] : memref<2x320000xi32, #tpu.memory_space<hbm>> -> memref<1x128xi32, #tpu.memory_space<hbm>>
        %dma_wait3A_318 = tpu.memref_squeeze %dma_wait3A_317 : memref<1x128xi32, #tpu.memory_space<hbm>> -> memref<128xi32, #tpu.memory_space<hbm>>
        tpu.wait_dma2 semaphore(%dma_wait3A_313 : memref<!tpu.dma_semaphore, #tpu.memory_space<semaphore_mem>>) src(%dma_wait3A_318 : memref<128xi32, #tpu.memory_space<hbm>>) dst(%dma_wait3A_316 : memref<128xi32, #tpu.memory_space<vmem>>)
        %dma_wait3A_319 = arith.constant 1 : i32
        %dma_wait3A_320 = arith.constant 1 : i32
        %dma_wait3A_321 = arith.constant 0 : i32
        %dma_wait3A_322 = tpu.memref_slice %arg6[%rem3A_291, %dma_wait3A_320, %dma_wait3A_321] : memref<4x2x128xi32, #tpu.memory_space<vmem>> -> memref<1x1x128xi32, #tpu.memory_space<vmem>>
        %dma_wait3A_323 = tpu.memref_squeeze %dma_wait3A_322 : memref<1x1x128xi32, #tpu.memory_space<vmem>> -> memref<128xi32, #tpu.memory_space<vmem>>
        %dma_wait3A_324 = tpu.memref_slice %arg2[%dma_wait3A_319, %select_n3A_304] : memref<2x320000xi32, #tpu.memory_space<hbm>> -> memref<1x128xi32, #tpu.memory_space<hbm>>
        %dma_wait3A_325 = tpu.memref_squeeze %dma_wait3A_324 : memref<1x128xi32, #tpu.memory_space<hbm>> -> memref<128xi32, #tpu.memory_space<hbm>>
        %dma_wait3A_326 = tpu.memref_slice %arg9[%rem3A_291] : memref<4x!tpu.dma_semaphore, #tpu.memory_space<semaphore_mem>> -> memref<1x!tpu.dma_semaphore, #tpu.memory_space<semaphore_mem>>
        %dma_wait3A_327 = tpu.memref_squeeze %dma_wait3A_326 : memref<1x!tpu.dma_semaphore, #tpu.memory_space<semaphore_mem>> -> memref<!tpu.dma_semaphore, #tpu.memory_space<semaphore_mem>>
        %dma_wait3A_328 = arith.constant 0 : i32
        %dma_wait3A_329 = tpu.memref_slice %arg6[%rem3A_291, %dma_wait3A_320, %dma_wait3A_328] : memref<4x2x128xi32, #tpu.memory_space<vmem>> -> memref<1x1x128xi32, #tpu.memory_space<vmem>>
        %dma_wait3A_330 = tpu.memref_squeeze %dma_wait3A_329 : memref<1x1x128xi32, #tpu.memory_space<vmem>> -> memref<128xi32, #tpu.memory_space<vmem>>
        %dma_wait3A_331 = tpu.memref_slice %arg2[%dma_wait3A_319, %select_n3A_304] : memref<2x320000xi32, #tpu.memory_space<hbm>> -> memref<1x128xi32, #tpu.memory_space<hbm>>
        %dma_wait3A_332 = tpu.memref_squeeze %dma_wait3A_331 : memref<1x128xi32, #tpu.memory_space<hbm>> -> memref<128xi32, #tpu.memory_space<hbm>>
        tpu.wait_dma2 semaphore(%dma_wait3A_327 : memref<!tpu.dma_semaphore, #tpu.memory_space<semaphore_mem>>) src(%dma_wait3A_332 : memref<128xi32, #tpu.memory_space<hbm>>) dst(%dma_wait3A_330 : memref<128xi32, #tpu.memory_space<vmem>>)
        %add3A_333 = arith.constant 2 : i32
        %add3A_334 = arith.addi %while3A_238, %add3A_333 : i32
        %rem3A_335 = arith.constant 4 : i32
        %rem3A_336 = arith.remsi %add3A_334, %rem3A_335 : i32
        %rem3A_337 = arith.constant 3 : i32
        %rem3A_338 = arith.remsi %add3A_334, %rem3A_337 : i32
        %eq3A_339 = arith.constant 0 : i32
        %eq3A_340 = arith.cmpi eq, %arg0, %eq3A_339 : i32
        %convert_element_type3A_341 = arith.extui %eq3A_340 : i1 to i32
        %cond3A_342 = arith.constant 0 : i32
        %cond3A_343 = arith.cmpi ne, %convert_element_type3A_341, %cond3A_342 : i32
        scf.if %cond3A_343 {
          %dma_start3A_349 = arith.constant 0 : i32
          %dma_start3A_350 = arith.constant 0 : i32
          %dma_start3A_351 = arith.constant 0 : i32
          %dma_start3A_352 = tpu.memref_slice %arg7[%rem3A_338, %dma_start3A_350, %dma_start3A_351] : memref<3x128x128xf32, #tpu.memory_space<vmem>> -> memref<1x128x128xf32, #tpu.memory_space<vmem>>
          %dma_start3A_353 = tpu.memref_squeeze %dma_start3A_352 : memref<1x128x128xf32, #tpu.memory_space<vmem>> -> memref<128x128xf32, #tpu.memory_space<vmem>>
          %dma_start3A_354 = arith.constant 0 : i32
          %dma_start3A_355 = tpu.memref_slice %arg6[%rem3A_336, %dma_start3A_349, %dma_start3A_354] : memref<4x2x128xi32, #tpu.memory_space<vmem>> -> memref<1x1x128xi32, #tpu.memory_space<vmem>>
          %dma_start3A_356 = tpu.memref_squeeze %dma_start3A_355 : memref<1x1x128xi32, #tpu.memory_space<vmem>> -> memref<128xi32, #tpu.memory_space<vmem>>
          %dma_start3A_357 = arith.constant 0 : i32
          %dma_start3A_358 = arith.constant 0 : i32
          %dma_start3A_359 = tpu.memref_slice %arg3[%dma_start3A_357, %dma_start3A_358] : memref<10000x128xf32, #tpu.memory_space<hbm>> -> memref<10000x128xf32, #tpu.memory_space<hbm>>
          %dma_start3A_360 = tpu.memref_slice %arg10[%rem3A_338] : memref<3x!tpu.dma_semaphore, #tpu.memory_space<semaphore_mem>> -> memref<1x!tpu.dma_semaphore, #tpu.memory_space<semaphore_mem>>
          %dma_start3A_361 = tpu.memref_squeeze %dma_start3A_360 : memref<1x!tpu.dma_semaphore, #tpu.memory_space<semaphore_mem>> -> memref<!tpu.dma_semaphore, #tpu.memory_space<semaphore_mem>>
          tpu.enqueue_indirect_dma source(%dma_start3A_359 : memref<10000x128xf32, #tpu.memory_space<hbm>>) target(%dma_start3A_353 : memref<128x128xf32, #tpu.memory_space<vmem>>) offsets(%dma_start3A_356 : memref<128xi32, #tpu.memory_space<vmem>>) semaphore(%dma_start3A_361 : memref<!tpu.dma_semaphore, #tpu.memory_space<semaphore_mem>>)
        } else {
        }
        %ne3A_344 = arith.constant 0 : i32
        %ne3A_345 = arith.cmpi ne, %arg0, %ne3A_344 : i32
        %convert_element_type3A_346 = arith.extui %ne3A_345 : i1 to i32
        %cond3A_347 = arith.constant 0 : i32
        %cond3A_348 = arith.cmpi ne, %convert_element_type3A_346, %cond3A_347 : i32
        scf.if %cond3A_348 {
          %dma_start3A_349 = arith.constant 0 : i32
          %dma_start3A_350 = arith.constant 0 : i32
          %dma_start3A_351 = arith.constant 0 : i32
          %dma_start3A_352 = tpu.memref_slice %arg7[%rem3A_338, %dma_start3A_350, %dma_start3A_351] : memref<3x128x128xf32, #tpu.memory_space<vmem>> -> memref<1x128x128xf32, #tpu.memory_space<vmem>>
          %dma_start3A_353 = tpu.memref_squeeze %dma_start3A_352 : memref<1x128x128xf32, #tpu.memory_space<vmem>> -> memref<128x128xf32, #tpu.memory_space<vmem>>
          %dma_start3A_354 = arith.constant 0 : i32
          %dma_start3A_355 = tpu.memref_slice %arg6[%rem3A_336, %dma_start3A_349, %dma_start3A_354] : memref<4x2x128xi32, #tpu.memory_space<vmem>> -> memref<1x1x128xi32, #tpu.memory_space<vmem>>
          %dma_start3A_356 = tpu.memref_squeeze %dma_start3A_355 : memref<1x1x128xi32, #tpu.memory_space<vmem>> -> memref<128xi32, #tpu.memory_space<vmem>>
          %dma_start3A_357 = arith.constant 0 : i32
          %dma_start3A_358 = arith.constant 0 : i32
          %dma_start3A_359 = tpu.memref_slice %arg4[%dma_start3A_357, %dma_start3A_358] : memref<10000x128xf32, #tpu.memory_space<hbm>> -> memref<10000x128xf32, #tpu.memory_space<hbm>>
          %dma_start3A_360 = tpu.memref_slice %arg10[%rem3A_338] : memref<3x!tpu.dma_semaphore, #tpu.memory_space<semaphore_mem>> -> memref<1x!tpu.dma_semaphore, #tpu.memory_space<semaphore_mem>>
          %dma_start3A_361 = tpu.memref_squeeze %dma_start3A_360 : memref<1x!tpu.dma_semaphore, #tpu.memory_space<semaphore_mem>> -> memref<!tpu.dma_semaphore, #tpu.memory_space<semaphore_mem>>
          tpu.enqueue_indirect_dma source(%dma_start3A_359 : memref<10000x128xf32, #tpu.memory_space<hbm>>) target(%dma_start3A_353 : memref<128x128xf32, #tpu.memory_space<vmem>>) offsets(%dma_start3A_356 : memref<128xi32, #tpu.memory_space<vmem>>) semaphore(%dma_start3A_361 : memref<!tpu.dma_semaphore, #tpu.memory_space<semaphore_mem>>)
        } else {
        }
      } else {
      }
      %rem3A_266 = arith.constant 4 : i32
      %rem3A_267 = arith.remsi %while3A_238, %rem3A_266 : i32
      %rem3A_268 = arith.constant 3 : i32
      %rem3A_269 = arith.remsi %while3A_238, %rem3A_268 : i32
      %dma_start3A_270 = arith.constant 1 : i32
      %dma_start3A_271 = arith.constant 0 : i32
      %dma_start3A_272 = arith.constant 0 : i32
      %dma_start3A_273 = tpu.memref_slice %arg7[%rem3A_269, %dma_start3A_271, %dma_start3A_272] : memref<3x128x128xf32, #tpu.memory_space<vmem>> -> memref<1x128x128xf32, #tpu.memory_space<vmem>>
      %dma_start3A_274 = tpu.memref_squeeze %dma_start3A_273 : memref<1x128x128xf32, #tpu.memory_space<vmem>> -> memref<128x128xf32, #tpu.memory_space<vmem>>
      %dma_start3A_275 = arith.constant 0 : i32
      %dma_start3A_276 = tpu.memref_slice %arg6[%rem3A_267, %dma_start3A_270, %dma_start3A_275] : memref<4x2x128xi32, #tpu.memory_space<vmem>> -> memref<1x1x128xi32, #tpu.memory_space<vmem>>
      %dma_start3A_277 = tpu.memref_squeeze %dma_start3A_276 : memref<1x1x128xi32, #tpu.memory_space<vmem>> -> memref<128xi32, #tpu.memory_space<vmem>>
      %dma_start3A_278 = arith.constant 0 : i32
      %dma_start3A_279 = arith.constant 0 : i32
      %dma_start3A_280 = tpu.memref_slice %arg8[%dma_start3A_278, %dma_start3A_279] : memref<10048x128xf32, #tpu.memory_space<vmem_shared>> -> memref<10048x128xf32, #tpu.memory_space<vmem_shared>>
      tpu.enqueue_indirect_dma source(%dma_start3A_274 : memref<128x128xf32, #tpu.memory_space<vmem>>) target(%dma_start3A_280 : memref<10048x128xf32, #tpu.memory_space<vmem_shared>>) offsets(%dma_start3A_277 : memref<128xi32, #tpu.memory_space<vmem>>) semaphore(%arg11 : memref<!tpu.dma_semaphore, #tpu.memory_space<semaphore_mem>>) {add = true}
      %add3A_281 = arith.constant 3 : i32
      %add3A_282 = arith.addi %while3A_238, %add3A_281 : i32
      %lt3A_283 = arith.cmpi slt, %add3A_282, %select_n3A_5 : i32
      %convert_element_type3A_284 = arith.extui %lt3A_283 : i1 to i32
      %cond3A_285 = arith.constant 0 : i32
      %cond3A_286 = arith.cmpi ne, %convert_element_type3A_284, %cond3A_285 : i32
      scf.if %cond3A_286 {
        %add3A_288 = arith.constant 3 : i32
        %add3A_289 = arith.addi %while3A_238, %add3A_288 : i32
        %rem3A_290 = arith.constant 4 : i32
        %rem3A_291 = arith.remsi %add3A_289, %rem3A_290 : i32
        %eq3A_292 = arith.constant 0 : i32
        %eq3A_293 = arith.cmpi eq, %arg0, %eq3A_292 : i32
        %ge3A_294 = arith.constant 78 : i32
        %ge3A_295 = arith.cmpi sge, %add3A_289, %ge3A_294 : i32
        %and3A_296 = arith.andi %eq3A_293, %ge3A_295 : i1
        %mul3A_297 = arith.constant 128 : i32
        %mul3A_298 = arith.muli %arg1, %mul3A_297 : i32
        %add3A_299 = arith.constant 319488 : i32
        %add3A_300 = arith.addi %add3A_299, %mul3A_298 : i32
        %mul3A_301 = arith.constant 128 : i32
        %mul3A_302 = arith.muli %add3A_289, %mul3A_301 : i32
        %add3A_303 = arith.addi %select_n3A_13, %mul3A_302 : i32
        %select_n3A_304 = arith.select %and3A_296, %add3A_300, %add3A_303 : i32
        %dma_start3A_305 = arith.constant 0 : i32
        %dma_start3A_306 = arith.constant 0 : i32
        %dma_start3A_307 = arith.constant 0 : i32
        %dma_start3A_308 = tpu.memref_slice %arg6[%rem3A_291, %dma_start3A_306, %dma_start3A_307] : memref<4x2x128xi32, #tpu.memory_space<vmem>> -> memref<1x1x128xi32, #tpu.memory_space<vmem>>
        %dma_start3A_309 = tpu.memref_squeeze %dma_start3A_308 : memref<1x1x128xi32, #tpu.memory_space<vmem>> -> memref<128xi32, #tpu.memory_space<vmem>>
        %dma_start3A_310 = tpu.memref_slice %arg2[%dma_start3A_305, %select_n3A_304] : memref<2x320000xi32, #tpu.memory_space<hbm>> -> memref<1x128xi32, #tpu.memory_space<hbm>>
        %dma_start3A_311 = tpu.memref_squeeze %dma_start3A_310 : memref<1x128xi32, #tpu.memory_space<hbm>> -> memref<128xi32, #tpu.memory_space<hbm>>
        %dma_start3A_312 = tpu.memref_slice %arg9[%rem3A_291] : memref<4x!tpu.dma_semaphore, #tpu.memory_space<semaphore_mem>> -> memref<1x!tpu.dma_semaphore, #tpu.memory_space<semaphore_mem>>
        %dma_start3A_313 = tpu.memref_squeeze %dma_start3A_312 : memref<1x!tpu.dma_semaphore, #tpu.memory_space<semaphore_mem>> -> memref<!tpu.dma_semaphore, #tpu.memory_space<semaphore_mem>>
        %dma_start3A_314 = arith.constant 0 : i32
        %dma_start3A_315 = tpu.memref_slice %arg6[%rem3A_291, %dma_start3A_306, %dma_start3A_314] : memref<4x2x128xi32, #tpu.memory_space<vmem>> -> memref<1x1x128xi32, #tpu.memory_space<vmem>>
        %dma_start3A_316 = tpu.memref_squeeze %dma_start3A_315 : memref<1x1x128xi32, #tpu.memory_space<vmem>> -> memref<128xi32, #tpu.memory_space<vmem>>
        %dma_start3A_317 = tpu.memref_slice %arg2[%dma_start3A_305, %select_n3A_304] : memref<2x320000xi32, #tpu.memory_space<hbm>> -> memref<1x128xi32, #tpu.memory_space<hbm>>
        %dma_start3A_318 = tpu.memref_squeeze %dma_start3A_317 : memref<1x128xi32, #tpu.memory_space<hbm>> -> memref<128xi32, #tpu.memory_space<hbm>>
        tpu.enqueue_dma source(%dma_start3A_318 : memref<128xi32, #tpu.memory_space<hbm>>) target(%dma_start3A_316 : memref<128xi32, #tpu.memory_space<vmem>>) target_semaphore(%dma_start3A_313 : memref<!tpu.dma_semaphore, #tpu.memory_space<semaphore_mem>>)
        %dma_start3A_319 = arith.constant 1 : i32
        %dma_start3A_320 = arith.constant 1 : i32
        %dma_start3A_321 = arith.constant 0 : i32
        %dma_start3A_322 = tpu.memref_slice %arg6[%rem3A_291, %dma_start3A_320, %dma_start3A_321] : memref<4x2x128xi32, #tpu.memory_space<vmem>> -> memref<1x1x128xi32, #tpu.memory_space<vmem>>
        %dma_start3A_323 = tpu.memref_squeeze %dma_start3A_322 : memref<1x1x128xi32, #tpu.memory_space<vmem>> -> memref<128xi32, #tpu.memory_space<vmem>>
        %dma_start3A_324 = tpu.memref_slice %arg2[%dma_start3A_319, %select_n3A_304] : memref<2x320000xi32, #tpu.memory_space<hbm>> -> memref<1x128xi32, #tpu.memory_space<hbm>>
        %dma_start3A_325 = tpu.memref_squeeze %dma_start3A_324 : memref<1x128xi32, #tpu.memory_space<hbm>> -> memref<128xi32, #tpu.memory_space<hbm>>
        %dma_start3A_326 = tpu.memref_slice %arg9[%rem3A_291] : memref<4x!tpu.dma_semaphore, #tpu.memory_space<semaphore_mem>> -> memref<1x!tpu.dma_semaphore, #tpu.memory_space<semaphore_mem>>
        %dma_start3A_327 = tpu.memref_squeeze %dma_start3A_326 : memref<1x!tpu.dma_semaphore, #tpu.memory_space<semaphore_mem>> -> memref<!tpu.dma_semaphore, #tpu.memory_space<semaphore_mem>>
        %dma_start3A_328 = arith.constant 0 : i32
        %dma_start3A_329 = tpu.memref_slice %arg6[%rem3A_291, %dma_start3A_320, %dma_start3A_328] : memref<4x2x128xi32, #tpu.memory_space<vmem>> -> memref<1x1x128xi32, #tpu.memory_space<vmem>>
        %dma_start3A_330 = tpu.memref_squeeze %dma_start3A_329 : memref<1x1x128xi32, #tpu.memory_space<vmem>> -> memref<128xi32, #tpu.memory_space<vmem>>
        %dma_start3A_331 = tpu.memref_slice %arg2[%dma_start3A_319, %select_n3A_304] : memref<2x320000xi32, #tpu.memory_space<hbm>> -> memref<1x128xi32, #tpu.memory_space<hbm>>
        %dma_start3A_332 = tpu.memref_squeeze %dma_start3A_331 : memref<1x128xi32, #tpu.memory_space<hbm>> -> memref<128xi32, #tpu.memory_space<hbm>>
        tpu.enqueue_dma source(%dma_start3A_332 : memref<128xi32, #tpu.memory_space<hbm>>) target(%dma_start3A_330 : memref<128xi32, #tpu.memory_space<vmem>>) target_semaphore(%dma_start3A_327 : memref<!tpu.dma_semaphore, #tpu.memory_space<semaphore_mem>>)
      } else {
      }
      %while3A_287 = arith.constant 0 : i32
      scf.yield %while3A_287 : i32
    }
    %dma_wait3A_198 = arith.constant 0 : i32
    %dma_wait3A_199 = arith.constant 0 : i32
    %dma_wait3A_200 = arith.constant 1 : i32
    %dma_wait3A_201 = arith.constant 0 : i32
    %dma_wait3A_202 = arith.constant 0 : i32
    %dma_wait3A_203 = tpu.memref_slice %arg7[%dma_wait3A_198, %dma_wait3A_201, %dma_wait3A_202] : memref<3x128x128xf32, #tpu.memory_space<vmem>> -> memref<1x128x128xf32, #tpu.memory_space<vmem>>
    %dma_wait3A_204 = tpu.memref_squeeze %dma_wait3A_203 : memref<1x128x128xf32, #tpu.memory_space<vmem>> -> memref<128x128xf32, #tpu.memory_space<vmem>>
    %dma_wait3A_205 = arith.constant 0 : i32
    %dma_wait3A_206 = tpu.memref_slice %arg6[%dma_wait3A_199, %dma_wait3A_200, %dma_wait3A_205] : memref<4x2x128xi32, #tpu.memory_space<vmem>> -> memref<1x1x128xi32, #tpu.memory_space<vmem>>
    %dma_wait3A_207 = tpu.memref_squeeze %dma_wait3A_206 : memref<1x1x128xi32, #tpu.memory_space<vmem>> -> memref<128xi32, #tpu.memory_space<vmem>>
    %dma_wait3A_208 = arith.constant 0 : i32
    %dma_wait3A_209 = arith.constant 0 : i32
    %dma_wait3A_210 = tpu.memref_slice %arg8[%dma_wait3A_208, %dma_wait3A_209] : memref<10048x128xf32, #tpu.memory_space<vmem_shared>> -> memref<10048x128xf32, #tpu.memory_space<vmem_shared>>
    tpu.wait_indirect_dma semaphore(%arg11 : memref<!tpu.dma_semaphore, #tpu.memory_space<semaphore_mem>>) src(%dma_wait3A_204 : memref<128x128xf32, #tpu.memory_space<vmem>>) dst(%dma_wait3A_210 : memref<10048x128xf32, #tpu.memory_space<vmem_shared>>)
    %barrier3A_211 = arith.constant 0 : index
    tpu.barrier barrier_id(%barrier3A_211)
    %add3A_212 = arith.constant 0 : i32
    %add3A_213 = arith.addi %mul3A_21, %add3A_212 : i32
    %add3A_214 = arith.constant 0 : i32
    %add3A_215 = arith.addi %mul3A_21, %add3A_214 : i32
    "tpu.region"() ({
      %run_scoped3A_238 = tpu.sem_alloc : memref<!tpu.dma_semaphore, #tpu.memory_space<semaphore_mem>>
      %dma_start3A_239 = arith.constant 0 : i32
      %dma_start3A_240 = tpu.memref_slice %arg5[%arg0, %add3A_215, %dma_start3A_239] : memref<2x10048x128xf32, #tpu.memory_space<hbm>> -> memref<1x128x128xf32, #tpu.memory_space<hbm>>
      %dma_start3A_241 = tpu.memref_squeeze %dma_start3A_240 : memref<1x128x128xf32, #tpu.memory_space<hbm>> -> memref<128x128xf32, #tpu.memory_space<hbm>>
      %dma_start3A_242 = arith.constant 0 : i32
      %dma_start3A_243 = tpu.memref_slice %arg8[%add3A_213, %dma_start3A_242] : memref<10048x128xf32, #tpu.memory_space<vmem_shared>> -> memref<128x128xf32, #tpu.memory_space<vmem_shared>>
      tpu.enqueue_dma source(%dma_start3A_243 : memref<128x128xf32, #tpu.memory_space<vmem_shared>>) target(%dma_start3A_241 : memref<128x128xf32, #tpu.memory_space<hbm>>) target_semaphore(%run_scoped3A_238 : memref<!tpu.dma_semaphore, #tpu.memory_space<semaphore_mem>>)
      %dma_wait3A_244 = arith.constant 0 : i32
      %dma_wait3A_245 = tpu.memref_slice %arg5[%arg0, %add3A_215, %dma_wait3A_244] : memref<2x10048x128xf32, #tpu.memory_space<hbm>> -> memref<1x128x128xf32, #tpu.memory_space<hbm>>
      %dma_wait3A_246 = tpu.memref_squeeze %dma_wait3A_245 : memref<1x128x128xf32, #tpu.memory_space<hbm>> -> memref<128x128xf32, #tpu.memory_space<hbm>>
      %dma_wait3A_247 = arith.constant 0 : i32
      %dma_wait3A_248 = tpu.memref_slice %arg8[%add3A_213, %dma_wait3A_247] : memref<10048x128xf32, #tpu.memory_space<vmem_shared>> -> memref<128x128xf32, #tpu.memory_space<vmem_shared>>
      tpu.wait_dma2 semaphore(%run_scoped3A_238 : memref<!tpu.dma_semaphore, #tpu.memory_space<semaphore_mem>>) src(%dma_wait3A_248 : memref<128x128xf32, #tpu.memory_space<vmem_shared>>) dst(%dma_wait3A_246 : memref<128x128xf32, #tpu.memory_space<hbm>>)
      tpu.yield
    }) : () -> ()
    %add3A_216 = arith.constant 128 : i32
    %add3A_217 = arith.addi %mul3A_21, %add3A_216 : i32
    %add3A_218 = arith.constant 128 : i32
    %add3A_219 = arith.addi %mul3A_21, %add3A_218 : i32
    "tpu.region"() ({
      %run_scoped3A_238 = tpu.sem_alloc : memref<!tpu.dma_semaphore, #tpu.memory_space<semaphore_mem>>
      %dma_start3A_239 = arith.constant 0 : i32
      %dma_start3A_240 = tpu.memref_slice %arg5[%arg0, %add3A_219, %dma_start3A_239] : memref<2x10048x128xf32, #tpu.memory_space<hbm>> -> memref<1x128x128xf32, #tpu.memory_space<hbm>>
      %dma_start3A_241 = tpu.memref_squeeze %dma_start3A_240 : memref<1x128x128xf32, #tpu.memory_space<hbm>> -> memref<128x128xf32, #tpu.memory_space<hbm>>
      %dma_start3A_242 = arith.constant 0 : i32
      %dma_start3A_243 = tpu.memref_slice %arg8[%add3A_217, %dma_start3A_242] : memref<10048x128xf32, #tpu.memory_space<vmem_shared>> -> memref<128x128xf32, #tpu.memory_space<vmem_shared>>
      tpu.enqueue_dma source(%dma_start3A_243 : memref<128x128xf32, #tpu.memory_space<vmem_shared>>) target(%dma_start3A_241 : memref<128x128xf32, #tpu.memory_space<hbm>>) target_semaphore(%run_scoped3A_238 : memref<!tpu.dma_semaphore, #tpu.memory_space<semaphore_mem>>)
      %dma_wait3A_244 = arith.constant 0 : i32
      %dma_wait3A_245 = tpu.memref_slice %arg5[%arg0, %add3A_219, %dma_wait3A_244] : memref<2x10048x128xf32, #tpu.memory_space<hbm>> -> memref<1x128x128xf32, #tpu.memory_space<hbm>>
      %dma_wait3A_246 = tpu.memref_squeeze %dma_wait3A_245 : memref<1x128x128xf32, #tpu.memory_space<hbm>> -> memref<128x128xf32, #tpu.memory_space<hbm>>
      %dma_wait3A_247 = arith.constant 0 : i32
      %dma_wait3A_248 = tpu.memref_slice %arg8[%add3A_217, %dma_wait3A_247] : memref<10048x128xf32, #tpu.memory_space<vmem_shared>> -> memref<128x128xf32, #tpu.memory_space<vmem_shared>>
      tpu.wait_dma2 semaphore(%run_scoped3A_238 : memref<!tpu.dma_semaphore, #tpu.memory_space<semaphore_mem>>) src(%dma_wait3A_248 : memref<128x128xf32, #tpu.memory_space<vmem_shared>>) dst(%dma_wait3A_246 : memref<128x128xf32, #tpu.memory_space<hbm>>)
      tpu.yield
    }) : () -> ()
    %add3A_220 = arith.constant 256 : i32
    %add3A_221 = arith.addi %mul3A_21, %add3A_220 : i32
    %add3A_222 = arith.constant 256 : i32
    %add3A_223 = arith.addi %mul3A_21, %add3A_222 : i32
    "tpu.region"() ({
      %run_scoped3A_238 = tpu.sem_alloc : memref<!tpu.dma_semaphore, #tpu.memory_space<semaphore_mem>>
      %dma_start3A_239 = arith.constant 0 : i32
      %dma_start3A_240 = tpu.memref_slice %arg5[%arg0, %add3A_223, %dma_start3A_239] : memref<2x10048x128xf32, #tpu.memory_space<hbm>> -> memref<1x128x128xf32, #tpu.memory_space<hbm>>
      %dma_start3A_241 = tpu.memref_squeeze %dma_start3A_240 : memref<1x128x128xf32, #tpu.memory_space<hbm>> -> memref<128x128xf32, #tpu.memory_space<hbm>>
      %dma_start3A_242 = arith.constant 0 : i32
      %dma_start3A_243 = tpu.memref_slice %arg8[%add3A_221, %dma_start3A_242] : memref<10048x128xf32, #tpu.memory_space<vmem_shared>> -> memref<128x128xf32, #tpu.memory_space<vmem_shared>>
      tpu.enqueue_dma source(%dma_start3A_243 : memref<128x128xf32, #tpu.memory_space<vmem_shared>>) target(%dma_start3A_241 : memref<128x128xf32, #tpu.memory_space<hbm>>) target_semaphore(%run_scoped3A_238 : memref<!tpu.dma_semaphore, #tpu.memory_space<semaphore_mem>>)
      %dma_wait3A_244 = arith.constant 0 : i32
      %dma_wait3A_245 = tpu.memref_slice %arg5[%arg0, %add3A_223, %dma_wait3A_244] : memref<2x10048x128xf32, #tpu.memory_space<hbm>> -> memref<1x128x128xf32, #tpu.memory_space<hbm>>
      %dma_wait3A_246 = tpu.memref_squeeze %dma_wait3A_245 : memref<1x128x128xf32, #tpu.memory_space<hbm>> -> memref<128x128xf32, #tpu.memory_space<hbm>>
      %dma_wait3A_247 = arith.constant 0 : i32
      %dma_wait3A_248 = tpu.memref_slice %arg8[%add3A_221, %dma_wait3A_247] : memref<10048x128xf32, #tpu.memory_space<vmem_shared>> -> memref<128x128xf32, #tpu.memory_space<vmem_shared>>
      tpu.wait_dma2 semaphore(%run_scoped3A_238 : memref<!tpu.dma_semaphore, #tpu.memory_space<semaphore_mem>>) src(%dma_wait3A_248 : memref<128x128xf32, #tpu.memory_space<vmem_shared>>) dst(%dma_wait3A_246 : memref<128x128xf32, #tpu.memory_space<hbm>>)
      tpu.yield
    }) : () -> ()
    %add3A_224 = arith.constant 384 : i32
    %add3A_225 = arith.addi %mul3A_21, %add3A_224 : i32
    %add3A_226 = arith.constant 384 : i32
    %add3A_227 = arith.addi %mul3A_21, %add3A_226 : i32
    "tpu.region"() ({
      %run_scoped3A_238 = tpu.sem_alloc : memref<!tpu.dma_semaphore, #tpu.memory_space<semaphore_mem>>
      %dma_start3A_239 = arith.constant 0 : i32
      %dma_start3A_240 = tpu.memref_slice %arg5[%arg0, %add3A_227, %dma_start3A_239] : memref<2x10048x128xf32, #tpu.memory_space<hbm>> -> memref<1x128x128xf32, #tpu.memory_space<hbm>>
      %dma_start3A_241 = tpu.memref_squeeze %dma_start3A_240 : memref<1x128x128xf32, #tpu.memory_space<hbm>> -> memref<128x128xf32, #tpu.memory_space<hbm>>
      %dma_start3A_242 = arith.constant 0 : i32
      %dma_start3A_243 = tpu.memref_slice %arg8[%add3A_225, %dma_start3A_242] : memref<10048x128xf32, #tpu.memory_space<vmem_shared>> -> memref<128x128xf32, #tpu.memory_space<vmem_shared>>
      tpu.enqueue_dma source(%dma_start3A_243 : memref<128x128xf32, #tpu.memory_space<vmem_shared>>) target(%dma_start3A_241 : memref<128x128xf32, #tpu.memory_space<hbm>>) target_semaphore(%run_scoped3A_238 : memref<!tpu.dma_semaphore, #tpu.memory_space<semaphore_mem>>)
      %dma_wait3A_244 = arith.constant 0 : i32
      %dma_wait3A_245 = tpu.memref_slice %arg5[%arg0, %add3A_227, %dma_wait3A_244] : memref<2x10048x128xf32, #tpu.memory_space<hbm>> -> memref<1x128x128xf32, #tpu.memory_space<hbm>>
      %dma_wait3A_246 = tpu.memref_squeeze %dma_wait3A_245 : memref<1x128x128xf32, #tpu.memory_space<hbm>> -> memref<128x128xf32, #tpu.memory_space<hbm>>
      %dma_wait3A_247 = arith.constant 0 : i32
      %dma_wait3A_248 = tpu.memref_slice %arg8[%add3A_225, %dma_wait3A_247] : memref<10048x128xf32, #tpu.memory_space<vmem_shared>> -> memref<128x128xf32, #tpu.memory_space<vmem_shared>>
      tpu.wait_dma2 semaphore(%run_scoped3A_238 : memref<!tpu.dma_semaphore, #tpu.memory_space<semaphore_mem>>) src(%dma_wait3A_248 : memref<128x128xf32, #tpu.memory_space<vmem_shared>>) dst(%dma_wait3A_246 : memref<128x128xf32, #tpu.memory_space<hbm>>)
      tpu.yield
    }) : () -> ()
    %eq3A_228 = arith.constant 15 : i32
    %eq3A_229 = arith.cmpi eq, %arg1, %eq3A_228 : i32
    %convert_element_type3A_230 = arith.extui %eq3A_229 : i1 to i32
    %cond3A_231 = arith.constant 0 : i32
    %cond3A_232 = arith.cmpi ne, %convert_element_type3A_230, %cond3A_231 : i32
    scf.if %cond3A_232 {
      %add3A_238 = arith.constant 512 : i32
      %add3A_239 = arith.addi %mul3A_21, %add3A_238 : i32
      %add3A_240 = arith.constant 512 : i32
      %add3A_241 = arith.addi %mul3A_21, %add3A_240 : i32
      "tpu.region"() ({
        %run_scoped3A_242 = tpu.sem_alloc : memref<!tpu.dma_semaphore, #tpu.memory_space<semaphore_mem>>
        %dma_start3A_243 = arith.constant 0 : i32
        %dma_start3A_244 = tpu.memref_slice %arg5[%arg0, %add3A_241, %dma_start3A_243] : memref<2x10048x128xf32, #tpu.memory_space<hbm>> -> memref<1x56x128xf32, #tpu.memory_space<hbm>>
        %dma_start3A_245 = tpu.memref_squeeze %dma_start3A_244 : memref<1x56x128xf32, #tpu.memory_space<hbm>> -> memref<56x128xf32, #tpu.memory_space<hbm>>
        %dma_start3A_246 = arith.constant 0 : i32
        %dma_start3A_247 = tpu.memref_slice %arg8[%add3A_239, %dma_start3A_246] : memref<10048x128xf32, #tpu.memory_space<vmem_shared>> -> memref<56x128xf32, #tpu.memory_space<vmem_shared>>
        tpu.enqueue_dma source(%dma_start3A_247 : memref<56x128xf32, #tpu.memory_space<vmem_shared>>) target(%dma_start3A_245 : memref<56x128xf32, #tpu.memory_space<hbm>>) target_semaphore(%run_scoped3A_242 : memref<!tpu.dma_semaphore, #tpu.memory_space<semaphore_mem>>)
        %dma_wait3A_248 = arith.constant 0 : i32
        %dma_wait3A_249 = tpu.memref_slice %arg5[%arg0, %add3A_241, %dma_wait3A_248] : memref<2x10048x128xf32, #tpu.memory_space<hbm>> -> memref<1x56x128xf32, #tpu.memory_space<hbm>>
        %dma_wait3A_250 = tpu.memref_squeeze %dma_wait3A_249 : memref<1x56x128xf32, #tpu.memory_space<hbm>> -> memref<56x128xf32, #tpu.memory_space<hbm>>
        %dma_wait3A_251 = arith.constant 0 : i32
        %dma_wait3A_252 = tpu.memref_slice %arg8[%add3A_239, %dma_wait3A_251] : memref<10048x128xf32, #tpu.memory_space<vmem_shared>> -> memref<56x128xf32, #tpu.memory_space<vmem_shared>>
        tpu.wait_dma2 semaphore(%run_scoped3A_242 : memref<!tpu.dma_semaphore, #tpu.memory_space<semaphore_mem>>) src(%dma_wait3A_252 : memref<56x128xf32, #tpu.memory_space<vmem_shared>>) dst(%dma_wait3A_250 : memref<56x128xf32, #tpu.memory_space<hbm>>)
        tpu.yield
      }) : () -> ()
    } else {
    }
    %ne3A_233 = arith.constant 15 : i32
    %ne3A_234 = arith.cmpi ne, %arg1, %ne3A_233 : i32
    %convert_element_type3A_235 = arith.extui %ne3A_234 : i1 to i32
    %cond3A_236 = arith.constant 0 : i32
    %cond3A_237 = arith.cmpi ne, %convert_element_type3A_235, %cond3A_236 : i32
    scf.if %cond3A_237 {
      %add3A_238 = arith.constant 512 : i32
      %add3A_239 = arith.addi %mul3A_21, %add3A_238 : i32
      %add3A_240 = arith.constant 512 : i32
      %add3A_241 = arith.addi %mul3A_21, %add3A_240 : i32
      "tpu.region"() ({
        %run_scoped3A_242 = tpu.sem_alloc : memref<!tpu.dma_semaphore, #tpu.memory_space<semaphore_mem>>
        %dma_start3A_243 = arith.constant 0 : i32
        %dma_start3A_244 = tpu.memref_slice %arg5[%arg0, %add3A_241, %dma_start3A_243] : memref<2x10048x128xf32, #tpu.memory_space<hbm>> -> memref<1x120x128xf32, #tpu.memory_space<hbm>>
        %dma_start3A_245 = tpu.memref_squeeze %dma_start3A_244 : memref<1x120x128xf32, #tpu.memory_space<hbm>> -> memref<120x128xf32, #tpu.memory_space<hbm>>
        %dma_start3A_246 = arith.constant 0 : i32
        %dma_start3A_247 = tpu.memref_slice %arg8[%add3A_239, %dma_start3A_246] : memref<10048x128xf32, #tpu.memory_space<vmem_shared>> -> memref<120x128xf32, #tpu.memory_space<vmem_shared>>
        tpu.enqueue_dma source(%dma_start3A_247 : memref<120x128xf32, #tpu.memory_space<vmem_shared>>) target(%dma_start3A_245 : memref<120x128xf32, #tpu.memory_space<hbm>>) target_semaphore(%run_scoped3A_242 : memref<!tpu.dma_semaphore, #tpu.memory_space<semaphore_mem>>)
        %dma_wait3A_248 = arith.constant 0 : i32
        %dma_wait3A_249 = tpu.memref_slice %arg5[%arg0, %add3A_241, %dma_wait3A_248] : memref<2x10048x128xf32, #tpu.memory_space<hbm>> -> memref<1x120x128xf32, #tpu.memory_space<hbm>>
        %dma_wait3A_250 = tpu.memref_squeeze %dma_wait3A_249 : memref<1x120x128xf32, #tpu.memory_space<hbm>> -> memref<120x128xf32, #tpu.memory_space<hbm>>
        %dma_wait3A_251 = arith.constant 0 : i32
        %dma_wait3A_252 = tpu.memref_slice %arg8[%add3A_239, %dma_wait3A_251] : memref<10048x128xf32, #tpu.memory_space<vmem_shared>> -> memref<120x128xf32, #tpu.memory_space<vmem_shared>>
        tpu.wait_dma2 semaphore(%run_scoped3A_242 : memref<!tpu.dma_semaphore, #tpu.memory_space<semaphore_mem>>) src(%dma_wait3A_252 : memref<120x128xf32, #tpu.memory_space<vmem_shared>>) dst(%dma_wait3A_250 : memref<120x128xf32, #tpu.memory_space<hbm>>)
        tpu.yield
      }) : () -> ()
    } else {
    }
    return
  }
}

module attributes {stable_mosaic.version = 14 : i64} {
  func.func @body(%arg0: i32, %arg1: memref<2x2000x128xf32, #tpu.memory_space<vmem>>, %arg2: memref<2000x128xf32, #tpu.memory_space<vmem>>, %arg3: memref<128x128xf32, #tpu.memory_space<vmem>>, %arg4: memref<1x1xf32, #tpu.memory_space<vmem>>, %arg5: memref<1x128xf32, #tpu.memory_space<vmem>>, %arg6: memref<2000x128xf32, #tpu.memory_space<vmem>>, %arg7: memref<2000x128xf32, #tpu.memory_space<vmem>>) attributes {dimension_semantics = [#tpu.dimension_semantics<arbitrary>], iteration_bounds = array<i64: 5>, scalar_prefetch = 0 : i64, scratch_operands = 0 : i64, tpu.core_type = #tpu.core_type<tc>, window_params = [{transform_indices = @transform_0, window_bounds = array<i64: 2, 2000, 128>}, {transform_indices = @transform_1, window_bounds = array<i64: 2000, 128>}, {pipeline_mode = #tpu.pipeline_mode<synchronous>, transform_indices = @transform_2, window_bounds = array<i64: 128, 128>}, {pipeline_mode = #tpu.pipeline_mode<synchronous>, transform_indices = @transform_3, window_bounds = array<i64: 1, 1>}, {pipeline_mode = #tpu.pipeline_mode<synchronous>, transform_indices = @transform_4, window_bounds = array<i64: 1, 128>}, {transform_indices = @transform_5, window_bounds = array<i64: 2000, 128>}, {transform_indices = @transform_6, window_bounds = array<i64: 2000, 128>}]} {
    %get3A = arith.constant 0 : index
    %get3A_0 = arith.constant 0 : index
    %get3A_1 = arith.constant 0 : index
    %get3A_2 = vector.load %arg1[%get3A, %get3A_0, %get3A_1] : memref<2x2000x128xf32, #tpu.memory_space<vmem>>, vector<1x2000x128xf32>
    %get3A_3 = vector.shape_cast %get3A_2 : vector<1x2000x128xf32> to vector<2000x128xf32>
    %get3A_4 = arith.constant 1 : index
    %get3A_5 = arith.constant 0 : index
    %get3A_6 = arith.constant 0 : index
    %get3A_7 = vector.load %arg1[%get3A_4, %get3A_5, %get3A_6] : memref<2x2000x128xf32, #tpu.memory_space<vmem>>, vector<1x2000x128xf32>
    %get3A_8 = vector.shape_cast %get3A_7 : vector<1x2000x128xf32> to vector<2000x128xf32>
    %add3A = arith.addf %get3A_3, %get3A_8 : vector<2000x128xf32>
    %get3A_9 = arith.constant 0 : index
    %get3A_10 = arith.constant 0 : index
    %get3A_11 = vector.load %arg4[%get3A_9, %get3A_10] : memref<1x1xf32, #tpu.memory_space<vmem>>, vector<1x1xf32>
    %get3A_12 = vector.extract %get3A_11[0, 0] : f32 from vector<1x1xf32>
    %get3A_13 = arith.constant 0 : index
    %get3A_14 = arith.constant 0 : index
    %get3A_15 = vector.load %arg2[%get3A_13, %get3A_14] : memref<2000x128xf32, #tpu.memory_space<vmem>>, vector<2000x128xf32>
    %mul3A = vector.broadcast %get3A_12 : f32 to vector<2000x128xf32>
    %mul3A_16 = arith.mulf %mul3A, %get3A_15 : vector<2000x128xf32>
    %add3A_17 = arith.addf %add3A, %mul3A_16 : vector<2000x128xf32>
    %swap3A = arith.constant 0 : index
    %swap3A_18 = arith.constant 0 : index
    %swap3A_19 = vector.load %arg7[%swap3A, %swap3A_18] : memref<2000x128xf32, #tpu.memory_space<vmem>>, vector<2000x128xf32>
    tpu.vector_store %arg7[%swap3A, %swap3A_18], %add3A_17 {strides = array<i32>} : memref<2000x128xf32, #tpu.memory_space<vmem>>, vector<2000x128xf32>,
    %get3A_20 = arith.constant 0 : index
    %get3A_21 = arith.constant 0 : index
    %get3A_22 = vector.load %arg3[%get3A_20, %get3A_21] : memref<128x128xf32, #tpu.memory_space<vmem>>, vector<128x128xf32>
    %dot_general3A = arith.constant dense<0.000000e+00> : vector<2000x128xf32>
    %dot_general3A_23 = tpu.matmul %add3A_17, %get3A_22, %dot_general3A {dimension_numbers = #tpu.dot_dimension_numbers<[1], [0], [0], [1], [0, 0, 1, 1], [], []>, transpose_lhs_hint = false} : vector<2000x128xf32>, vector<128x128xf32>, vector<2000x128xf32> -> vector<2000x128xf32>
    %get3A_24 = arith.constant 0 : index
    %get3A_25 = arith.constant 0 : index
    %get3A_26 = vector.load %arg5[%get3A_24, %get3A_25] : memref<1x128xf32, #tpu.memory_space<vmem>>, vector<1x128xf32>
    %add3A_27 = vector.broadcast %get3A_26 : vector<1x128xf32> to vector<2000x128xf32>
    %add3A_28 = arith.addf %dot_general3A_23, %add3A_27 : vector<2000x128xf32>
    %swap3A_29 = arith.constant 0 : index
    %swap3A_30 = arith.constant 0 : index
    %swap3A_31 = vector.load %arg6[%swap3A_29, %swap3A_30] : memref<2000x128xf32, #tpu.memory_space<vmem>>, vector<2000x128xf32>
    tpu.vector_store %arg6[%swap3A_29, %swap3A_30], %add3A_28 {strides = array<i32>} : memref<2000x128xf32, #tpu.memory_space<vmem>>, vector<2000x128xf32>,
    return
  }
  func.func @transform_0(%arg0: i32) -> (i32, i32, i32) {
    %c0_i32 = arith.constant 0 : i32
    %c0_i32_0 = arith.constant 0 : i32
    %c0_i32_1 = arith.constant 0 : i32
    return %c0_i32, %arg0, %c0_i32_0 : i32, i32, i32
  }
  func.func @transform_1(%arg0: i32) -> (i32, i32) {
    %c0_i32 = arith.constant 0 : i32
    %c0_i32_0 = arith.constant 0 : i32
    return %arg0, %c0_i32 : i32, i32
  }
  func.func @transform_2(%arg0: i32) -> (i32, i32) {
    %c0_i32 = arith.constant 0 : i32
    %c0_i32_0 = arith.constant 0 : i32
    %c0_i32_1 = arith.constant 0 : i32
    return %c0_i32, %c0_i32_0 : i32, i32
  }
  func.func @transform_3(%arg0: i32) -> (i32, i32) {
    %c0_i32 = arith.constant 0 : i32
    %c0_i32_0 = arith.constant 0 : i32
    %c0_i32_1 = arith.constant 0 : i32
    return %c0_i32, %c0_i32_0 : i32, i32
  }
  func.func @transform_4(%arg0: i32) -> (i32, i32) {
    %c0_i32 = arith.constant 0 : i32
    %c0_i32_0 = arith.constant 0 : i32
    %c0_i32_1 = arith.constant 0 : i32
    return %c0_i32, %c0_i32_0 : i32, i32
  }
  func.func @transform_5(%arg0: i32) -> (i32, i32) {
    %c0_i32 = arith.constant 0 : i32
    %c0_i32_0 = arith.constant 0 : i32
    return %arg0, %c0_i32 : i32, i32
  }
  func.func @transform_6(%arg0: i32) -> (i32, i32) {
    %c0_i32 = arith.constant 0 : i32
    %c0_i32_0 = arith.constant 0 : i32
    return %arg0, %c0_i32 : i32, i32
  }
}

</mosaic_0001>

<sc_bundles>
// kernel: kernel.4.cloned.1.call-start
scs
__scs_entry_jumppad:
0x0: {  	(pc) =	sbr.rel $0x88, $3  }
0x1: {  	(tag) =	ssettag $0x0;
	lr =	simm.s32 $0x1  }
0x2: {  	[smem:$0x3F9C] =	sst lr;
	_ =	strace $0xD0000000  }
0x3: {  	_ = 	snop  }
0x4: {  	_ = 	snop  }
0x5: {  	_ = 	snop  }
0x6: {  	_ = 	snop  }
0x7: {  	_ = 	snop  }
__scs_overlays_trampoline_lowered:
0x8: {  	[smem:$0x3FAB] =	sst s0  }
0x9: {  	[smem:$0x3FAC] =	sst s1  }
0xa: {  	[smem:$0x3FAD] =	sst s2  }
0xb: {  	[smem:$0x3FAE] =	sst s3  }
0xc: {  	[smem:$0x3FAF] =	sst s4  }
0xd: {  	[smem:$0x3FB0] =	sst s5  }
0xe: {  	[smem:$0x3FB1] =	sst s6  }
0xf: {  	[smem:$0x3FB2] =	sst s7  }
0x10: {  	[smem:$0x3FB3] =	sst s8  }
0x11: {  	[smem:$0x3FB4] =	sst s9;
	s0 =	simm.s32 @!p0 $0x0  }
0x12: {  	s1 =	sld [smem:$0x3F9A];
	s0 =	simm.s32 @p0 $0x1  }
0x13: {  	[smem:$0x3FB5] =	sst s0;
	s0 =	simm.s32 @!p1 $0x0  }
0x14: {  	s2 =	sld [smem:$0x3F99];
	s0 =	simm.s32 @p1 $0x1  }
0x15: {  	[smem:$0x3FB6] =	sst s0;
	s0 =	simm.s32 @!p2 $0x0  }
0x16: {  	s3 =	sld [smem:$0x3FDB];
	s0 =	simm.s32 @p2 $0x1  }
0x17: {  	s4 =	simm.s32 $0x1BF5;
	[smem:$0x3FB8] =	sst s0  }
0x18: {  	s0 =	sld [smem:$0x3F9B];
	_ =	swait.ge [sflag:s4], $0x0  }
0x19: {  	s7 =	sld [smem:$0x3F9C]  }
0x1a: {  	s8 =	sadd.s32 $0xFFFFE003, lr  }
0x1b: {  	s9 =	sadd.s32 $0xFFFFFEF7, lr;
	s5 =	simm.s32 $0xFFFFFFFF;
	p2 =	slt.u32 s8, $0xFFFFF086  }
0x1c: {  	p1 =	slt.u32 s9, $0xF7A;
	s5 =	simm.s32 @!p2 $0x0  }
0x1d: {  	s5 =	simm.s32 @p1 $0x1;
	p0 =	seq.s32 s7, s2  }
0x1e: {  	s7 =	smul.u32 @!p0 $0xF7A, s2;
	p2 =	seq.s32 @!p0 s5, $0x0  }
0x1f: {  	s9 =	smul.u32 $0xF7A, s1;
	s8 =	simm.s32 @!p0 $0x1BF5;
	p2 =	por !p2, p0  }
0x20: {  	[sflag:s8] =	ssyncset.s32 @!p0 $0xFFFFF086;
	s6 =	sadd.s32 @!p0 s3, s7;
	s7 =	simm.s32 @!p0 $0x108  }
0x21: {  	s3 =	sadd.s32 s3, s9;
	s6 =	sadd.s32 @!p0 $0x88, s6;
	s7 =	simm.s32 @p2 $0x1082  }
0x22: {  	[simem:s7], [sflag:s8] =	dma.local @!p0 [hbm:s6], $0xF7A  }
0x23: {  	s9 =	sor.u32 $0xD0000000, s2;
	s6 =	simm.s32 $0x108;
	_ =	swait.ge @!p0 [sflag:s8], $0x0  }
0x24: {  	s3 =	sadd.s32 $0x88, s3;
	s6 =	simm.s32 @!p1 $0x1082;
	[sflag:s4] =	ssyncset.s32 $0xFFFFF086  }
0x25: {  	[simem:s6], [sflag:s4] =	dma.local [hbm:s3], $0xF7A  }
0x26: {  	[smem:$0x3F9C] =	sst s1;
	(tag) =	ssettag s2;
	_ =	strace s9  }
0x27: {  	s1 =	sld [smem:$0x3FAC]  }
0x28: {  	s2 =	sld [smem:$0x3FAD]  }
0x29: {  	s4 =	sld [smem:$0x3FAF]  }
0x2a: {  	p0 =	seq.s32 s5, $0x0;
	s5 =	sld [smem:$0x3FB0]  }
0x2b: {  	s6 =	sld [smem:$0x3FB1]  }
0x2c: {  	s7 =	sld [smem:$0x3FB2]  }
0x2d: {  	s3 =	simm.s32 $0x108;
	s8 =	sld [smem:$0x3FB3]  }
0x2e: {  	s3 =	simm.s32 @!p0 $0x1082;
	s9 =	sld [smem:$0x3FB4]  }
0x2f: {  	lr =	sadd.s32 s0, s3;
	s0 =	sld [smem:$0x3FAB]  }
0x30: {  	s3 =	sld [smem:$0x3FAE]  }
0x31: {  	[smem:$0x3FB7] =	sst s10  }
0x32: {  	s10 =	sld [smem:$0x3FB5];
	_ =	sdelay $0x3  }
0x33: {  	p0 =	seq.s32 s10, $0x1;
	s10 =	sld [smem:$0x3FB7];
	_ =	sdelay $0x3  }
0x34: {  	[smem:$0x3FB7] =	sst s10  }
0x35: {  	s10 =	sld [smem:$0x3FB6];
	_ =	sdelay $0x3  }
0x36: {  	p1 =	seq.s32 s10, $0x1;
	s10 =	sld [smem:$0x3FB7];
	_ =	sdelay $0x3  }
0x37: {  	[smem:$0x3FB7] =	sst s10  }
0x38: {  	s10 =	sld [smem:$0x3FB8]  }
0x39: {  	_ = 	snop;
	(pc) =	sbr.ind lr, $3  }
0x3a: {  	_ = 	snop  }
0x3b: {  	_ = 	snop  }
0x3c: {  	p2 =	seq.s32 s10, $0x1;
	s10 =	sld [smem:$0x3FB7]  }
0x3d: {  	_ =	shalt  }
0x3e: {  	_ =	shalt  }
0x3f: {  	_ =	shalt  }
0x40: {  	_ =	shalt  }
0x41: {  	_ =	shalt  }
0x42: {  	_ =	shalt  }
0x43: {  	_ =	shalt  }
0x44: {  	_ =	shalt  }
0x45: {  	_ =	shalt  }
0x46: {  	_ =	shalt  }
0x47: {  	_ =	shalt  }
0x48: {  	_ =	shalt  }
0x49: {  	_ =	shalt  }
0x4a: {  	_ =	shalt  }
0x4b: {  	_ =	shalt  }
0x4c: {  	_ =	shalt  }
0x4d: {  	_ =	shalt  }
0x4e: {  	_ =	shalt  }
0x4f: {  	_ =	shalt  }
0x50: {  	_ =	shalt  }
0x51: {  	_ =	shalt  }
0x52: {  	_ =	shalt  }
0x53: {  	_ =	shalt  }
0x54: {  	_ =	shalt  }
0x55: {  	_ =	shalt  }
0x56: {  	_ =	shalt  }
0x57: {  	_ =	shalt  }
0x58: {  	_ =	shalt  }
0x59: {  	_ =	shalt  }
0x5a: {  	_ =	shalt  }
0x5b: {  	_ =	shalt  }
0x5c: {  	_ =	shalt  }
0x5d: {  	_ =	shalt  }
0x5e: {  	_ =	shalt  }
0x5f: {  	_ =	shalt  }
0x60: {  	_ =	shalt  }
0x61: {  	_ =	shalt  }
0x62: {  	_ =	shalt  }
0x63: {  	_ =	shalt  }
0x64: {  	_ =	shalt  }
0x65: {  	_ =	shalt  }
0x66: {  	_ =	shalt  }
0x67: {  	_ =	shalt  }
0x68: {  	_ =	shalt  }
0x69: {  	_ =	shalt  }
0x6a: {  	_ =	shalt  }
0x6b: {  	_ =	shalt  }
0x6c: {  	_ =	shalt  }
0x6d: {  	_ =	shalt  }
0x6e: {  	_ =	shalt  }
0x6f: {  	_ =	shalt  }
0x70: {  	_ =	shalt  }
0x71: {  	_ =	shalt  }
0x72: {  	_ =	shalt  }
0x73: {  	_ =	shalt  }
0x74: {  	_ =	shalt  }
0x75: {  	_ =	shalt  }
0x76: {  	_ =	shalt  }
0x77: {  	_ =	shalt  }
0x78: {  	_ =	shalt  }
0x79: {  	_ =	shalt  }
0x7a: {  	_ =	shalt  }
0x7b: {  	_ =	shalt  }
0x7c: {  	_ =	shalt  }
0x7d: {  	_ =	shalt  }
0x7e: {  	_ =	shalt  }
0x7f: {  	_ =	shalt  }
0x80: {  	_ =	shalt  }
0x81: {  	_ =	shalt  }
0x82: {  	_ =	shalt  }
0x83: {  	_ =	shalt  }
0x84: {  	_ =	shalt  }
0x85: {  	_ =	shalt  }
0x86: {  	_ =	shalt  }
0x87: {  	_ =	shalt  }
.Lfunc_end0:
.L_simem_size_0:
called_computation_lowered:
.L_overlay_start_0:
0x88: {  	s2 =	sld [smem:$0x3FD9]  }
0x89: {  	s3 =	sld [smem:$0x3FFE];
	_ =	sdelay $0x1  }
0x8a: {  	s1 =	srdreg.scid  }
0x8b: {  	s0 =	sand.u32 $0x1, s1  }
0x8c: {  	s17 =	sshll.u32 s0, $0xA;
	s2 =	sadd.s32 s3, s2  }
0x8d: {  	s2 =	sadd.s32 s2, s17  }
0x8e: {  	[smem:$0x3FC3] =	sst s2  }
0x8f: {  	_ = 	snop  }
0x90: {  	s2 =	sld [smem:$0x3FC9]  }
0x91: {  	s18 =	sld [smem:$0x3FC8];
	(tm) =	ssettm $0x1  }
0x92: {  	s4 =	sld [smem:$0x3FFB];
	_ =	sdelay $0x3  }
0x93: {  	_ =	strace s4  }
0x94: {  	s4 =	sld [smem:$0x3FFC];
	_ =	sdelay $0x3  }
0x95: {  	_ =	strace s4  }
0x96: {  	s4 =	sld [smem:$0x3FFD];
	_ =	sdelay $0x3  }
0x97: {  	_ =	strace s4  }
0x98: {  	_ =	strace $0x8FFFFFFF  }
0x99: {  	s19 =	sld [smem:$0x3FDB];
	_ =	sdelay $0x1  }
0x9a: {  	s5 =	simm.s32 $_scs_section_size  }
0x9b: {  	s6 =	simm.s32 $_size__tile_overlayer_lowered;
	s7 =	simm.s32 $_tile_overlayer_lowered  }
0x9c: {  	s22 =	simm.s32 $0x1BFF;
	s21 =	sshll.u32 s7, $0x1;
	s4 =	sadd.s32 s5, s19  }
0x9d: {  	s8 =	simm.s32 $0x0;
	s20 =	sshll.u32 s6, $0x1;
	s6 =	sadd.s32 s21, s4  }
0x9e: {  	[timem:s8], [sflag:s22] =	dma.local [hbm:s6], s20  }
0x9f: {  	_ =	swait.ge [sflag:s22], s20  }
0xa0: {  	s5 =	ssub.s32 $0x0, s20;
	[sflag:s22] =	ssyncset.done $0x0  }
0xa1: {  	[sflag:s22] =	ssyncadd.s32 s5;
	_ =	sdelay $0x1  }
0xa2: {  	s23 =	simm.s32 $0x1B8B  }
0xa3: {  	_ =	swait.ge [sflag:s23], $0x1  }
0xa4: {  	[sflag:s23] =	ssyncset.done $0x0  }
0xa5: {  	s25 =	simm.s32 $0x1B8E;
	s24 =	sld [smem:$0x3FFE];
	[sflag:s23] =	ssyncadd.s32 $0xFFFFFFFF  }
0xa6: {  	s26 =	simm.s32 $execute0_lowered;
	[smem:$0x3FD2] =	sst s25  }
0xa7: {  	s6 =	sshll.u32 s26, $0x1;
	_ =	strace $0x80000046;
	[dreg:$0x1] =	wrdreg $0xFFFFFFFF  }
0xa8: {  	s28 =	simm.s32 $_size_execute0_lowered;
	s4 =	sadd.s32 s4, s6;
	[dreg:$0x0] =	wrdreg $0x0  }
0xa9: {  	s6 =	sshll.u32 s28, $0x1;
	[dreg:$0x2] =	wrdreg s4  }
0xaa: {  	[dreg:$0x3] =	wrdreg s6  }
0xab: {  	[dreg:$0x4] =	wrdreg $0xC0  }
0xac: {  	_ =	task [dreg:s8], $0x5FFFF  }
0xad: {  	[dreg:$0x1] =	wrdreg $0xFFFFFFFF  }
0xae: {  	[dreg:$0x0] =	wrdreg $0x60  }
0xaf: {  	[dreg:$0x2] =	wrdreg s18  }
0xb0: {  	[dreg:$0x3] =	wrdreg s2  }
0xb1: {  	[dreg:$0x4] =	wrdreg s24  }
0xb2: {  	[dreg:$0x5] =	wrdreg $0xC4000  }
0xb3: {  	[dreg:$0x6] =	wrdreg $0x9  }
0xb4: {  	_ =	task.clear_ibuf [dreg:s8], $0x7FFFF;
	_ =	strace $0x90000046  }
0xb5: {  	s29 =	simm.s32 $0x9;
	_ =	strace $0x80000048  }
0xb6: {  	_ =	swait.ge [sflag:s29], $0x1  }
0xb7: {  	[sflag:s29] =	ssyncadd.s32 $0xFFFFFFFF  }
0xb8: {  	_ =	strace $0x90000048  }
0xb9: {  	_ =	sfence  }
0xba: {  	s30 =	sld [smem:$0x0];
	_ =	sdelay $0x2  }
0xbb: {  	s31 =	sshll.u32 s1, $0xD;
	s1 =	sshrl.u32 s1, $0x2  }
0xbc: {  	s3 =	sand.u32 $0x4000, s31;
	s1 =	sadd.s32 s1, s30  }
0xbd: {  	s0 =	sor.u32 s3, s0;
	s1 =	sshll.u32 s1, $0x11  }
0xbe: {  	s0 =	sor.u32 s1, s0  }
0xbf: {  	s0 =	sadd.s32 $0x8F2B, s0  }
0xc0: {  	[sflag:s0] =	ssyncadd.remote.s32 $0x1  }
0xc1: {  	_ =	sfence.sel $0xFFFF  }
0xc2: {  	[dreg:$0x0] =	wrdreg $0xFFFFFFFF;
	(pc) =	sbr.abs _section_cstart, $3  }
0xc3: {  	[dreg:$0x1] =	wrdreg $0xFFFFFFFF  }
0xc4: {  	_ =	task.clear_ibuf [dreg:s8], $0x2FFFF;
	_ =	strace $0x9FFFFFFF  }
0xc5: {  	(tm) =	ssettm $0x7FFFFFFF  }
tec
execute0_lowered:
.L_overlay_start_1:
0x0: {  	(tag) =	ssettag $0x1  }
0x1: {  	s1 =	rddreg [dreg:$0x0]  }
0x2: {  	s2 =	rddreg [dreg:$0x1]  }
0x3: {  	s0 =	rddreg [dreg:$0x2]  }
0x4: {  	s3 =	rddreg [dreg:$0x3]  }
0x5: {  	s5 =	simm.s32 $0x0;
	s4 =	srdreg.scid;
	s10 =	stileid.u32  }
0x6: {  	[smem:$0x7FF] =	sst s5;
	s5 =	smul.u32 $0x2700, s10  }
0x7: {  	s7 =	simm.s32 $0x4F;
	s6 =	sand.u32 $0x1, s4;
	s8 =	smul.u32 $0x4F000, s10  }
0x8: {  	s0 =	sadd.s32 $0xC00, s0;
	p1 =	slt.u32 s10, $0x4;
	s12 =	smul.u32 $0x13C00, s10  }
0x9: {  	s20 =	sadd.s32 $0x138400, s3;
	s24 =	sshll.u32 s10, $0x7;
	_ =	strace $0x80000047  }
0xa: {  	s4 =	ssub.s32 $0x2, s6;
	p0 =	seq.s32 s6, $0x0;
	s7 =	simm.s32 @!p1 $0x4E  }
0xb: {  	s17 =	smul.u32 $0x13A000, s6;
	[dreg:$0xc] =	wrdreg s20;
	s21 =	sshrl.u32 s4, $0x1  }
0xc: {  	s9 =	sadd.s32 $0x27000, s5;
	s7 =	simm.s32 @!p0 $0x4E;
	s22 =	sshrl.u32 s8, $0x2  }
0xd: {  	s23 =	sadd.s32 $0x4000, s12;
	s14 =	sadd.s32 $0x8000, s12;
	s15 =	sadd.s32 $0xC000, s12  }
0xe: {  	s4 =	ssub.s32 s4, s21;
	s8 =	sadd.s32 s22, s3;
	s22 =	ssub.s32 $0x0, s7  }
0xf: {  	s9 =	smov.u32 @p0 s5;
	s11 =	sadd.s32 s23, s3;
	[dreg:$0x6] =	wrdreg s22  }
0x10: {  	s13 =	sadd.s32 s14, s3;
	s19 =	sadd.s32 s15, s3;
	[dreg:$0x7] =	wrdreg s8  }
0x11: {  	s5 =	sadd.s32 s17, s23;
	s28 =	sadd.s32 s17, s14;
	[dreg:$0x8] =	wrdreg s11  }
0x12: {  	s29 =	sadd.s32 s17, s15;
	s16 =	sshrl.u32 s9, $0x2;
	[dreg:$0x9] =	wrdreg s13  }
0x13: {  	s18 =	sadd.s32 $0x10000, s8;
	s5 =	sshrl.u32 s5, $0x3;
	[dreg:$0xa] =	wrdreg s19  }
0x14: {  	[dreg:$0xb] =	wrdreg s18;
	s21 =	sadd.s32 s1, s16;
	s16 =	sor.u32 $0x4E000, s24  }
0x15: {  	s14 =	sshrl.u32 s29, $0x3;
	s5 =	sadd.s32 s0, s5;
	[dreg:$0x5] =	wrdreg s16  }
0x16: {  	s25 =	sadd.s32 s12, s17;
	s14 =	sadd.s32 s0, s14;
	[dreg:$0xf] =	wrdreg s5  }
0x17: {  	s18 =	sshrl.u32 s25, $0x3;
	s25 =	smax.u32 s4, $0x1;
	[dreg:$0x11] =	wrdreg s14  }
0x18: {  	[dreg:$0x16] =	wrdreg s25  }
0x19: {  	s26 =	sadd.s32 s0, s18;
	[dreg:$0xd] =	wrdreg s21  }
0x1a: {  	s23 =	sadd.s32 $0x10, s21;
	[dreg:$0xe] =	wrdreg s26  }
0x1b: {  	s12 =	sadd.s32 $0x10000, s12;
	s24 =	sadd.s32 $0x20, s21;
	[dreg:$0x13] =	wrdreg s23  }
0x1c: {  	s5 =	sshrl.u32 s28, $0x3;
	s28 =	sadd.s32 $0x30, s21;
	[dreg:$0x14] =	wrdreg s24  }
0x1d: {  	s30 =	sadd.s32 s17, s12;
	s29 =	sadd.s32 $0x40, s21;
	[dreg:$0x19] =	wrdreg s28  }
0x1e: {  	s16 =	sshrl.u32 s30, $0x3;
	s30 =	sadd.s32 $0x50, s21;
	[dreg:$0x1a] =	wrdreg s29  }
0x1f: {  	p0 =	sne.s32 s10, $0xF;
	s5 =	sadd.s32 s0, s5;
	[dreg:$0x1b] =	wrdreg s30  }
0x20: {  	s18 =	sshrl.u32 s17, $0x3;
	s26 =	sadd.s32 $0x180, s9;
	[dreg:$0x10] =	wrdreg s5  }
0x21: {  	s5 =	sadd.s32 s0, s16;
	s0 =	sadd.s32 s0, s18;
	[dreg:$0x17] =	wrdreg s26  }
0x22: {  	[dreg:$0x12] =	wrdreg s5;
	s5 =	sadd.s32 s12, s3;
	s0 =	sadd.s32 $0x27080, s0  }
0x23: {  	s31 =	simm.s32 $0x9;
	[dreg:$0x15] =	wrdreg s0;
	s0 =	sshrl.u32 @p0 s5, $0x3  }
0x24: {  	v0 =	vimm.f32 $0.0e+00;
	s15 =	simm.s32 $0x0;
	[dreg:$0x18] =	wrdreg s0;
	s0 =	simm.s32 $0x80  }
.LBB2_1:
0x25: {  	s4 =	simm.s32 $0x0  }
0x26: {  	s5 =	sand.u32 $0xFE00, s4  }
0x27: {  	s9 =	sand.u32 $0x70, s4;
	s12 =	sshrl.u32 s5, $0x2  }
0x28: {  	s5 =	simm.s32 $0x40;
	s12 =	sor.u32 s9, s12;
	s9 =	simm.s32 $0x0  }
.LBB2_2:
0x29: {  	p1 =	sne.s32 s5, $0xFFC0  }
0x2a: {  	[tilespmem:s12+$0x400] =	vst v0;
	s9 =	sadd.s32 $0x10, s9;
	s12 =	smov.u32 s5;
	s5 =	sadd.s32 $0x40, s5  }
.Ltmp0:
0x2b: {  	(pc) =	sbr.rel @p1 .LBB2_2-.Ltmp0, $4  }
0x2c: {  	_ = 	snop  }
0x2d: {  	s12 =	sand.u32 $0xFE00, s12  }
0x2e: {  	s14 =	sand.u32 $0x70, s9;
	s12 =	sshrl.u32 s12, $0x2  }
0x2f: {  	s12 =	sor.u32 s14, s12  }
0x30: {  	[tilespmem:s12+$0x400] =	vst v0;
	s4 =	simm.s32 $0x400  }
0x31: {  	[spmem:s8] =	stream.linear.scatter [tilespmem:s4], [sflag:$0x9], $0x4000, $0x38;
	[tilespmem:$0x1FE00] =	vst v63  }
0x32: {  	_ =	swait.ge [sflag:s31], $0x4000  }
0x33: {  	[sflag:s31] =	ssyncset.done $0x0  }
0x34: {  	[sflag:s31] =	ssyncadd.s32 $0xFFFFC000  }
0x35: {  	[spmem:s11] =	stream.linear.scatter [tilespmem:s4], [sflag:$0x9], $0x4000, $0x38;
	[tilespmem:$0x1FE00] =	vst v63  }
0x36: {  	_ =	swait.ge [sflag:s31], $0x4000  }
0x37: {  	[sflag:s31] =	ssyncset.done $0x0  }
0x38: {  	[sflag:s31] =	ssyncadd.s32 $0xFFFFC000  }
0x39: {  	[spmem:s13] =	stream.linear.scatter [tilespmem:s4], [sflag:$0x9], $0x4000, $0x38;
	[tilespmem:$0x1FE00] =	vst v63  }
0x3a: {  	_ =	swait.ge [sflag:s31], $0x4000  }
0x3b: {  	[sflag:s31] =	ssyncset.done $0x0  }
0x3c: {  	[sflag:s31] =	ssyncadd.s32 $0xFFFFC000  }
0x3d: {  	[spmem:s19] =	stream.linear.scatter [tilespmem:s4], [sflag:$0x9], $0x4000, $0x38;
	[tilespmem:$0x1FE00] =	vst v63  }
0x3e: {  	_ =	swait.ge [sflag:s31], $0x4000  }
0x3f: {  	s5 =	simm.s32 @p0 $0x400;
	[sflag:s31] =	ssyncset.done $0x0  }
0x40: {  	s17 =	simm.s32 @p0 $0x9;
	s4 =	rddreg [dreg:$0xb];
	[sflag:s31] =	ssyncadd.s32 $0xFFFFC000  }
0x41: {  	[spmem:s4] =	stream.linear.scatter @p0 [tilespmem:s5], [sflag:$0x9], $0x3C00, $0x38;
	[tilespmem:$0x1FE00] =	vst v63  }
0x42: {  	_ =	swait.ge @p0 [sflag:s17], $0x3C00  }
0x43: {  	[sflag:s17] =	ssyncset.done @p0 $0x0  }
0x44: {  	s5 =	simm.s32 @!p0 $0x400;
	s4 =	simm.s32 @!p0 $0x9;
	[sflag:s17] =	ssyncadd.s32 @p0 $0xFFFFC400  }
0x45: {  	[spmem:s20] =	stream.linear.scatter @!p0 [tilespmem:s5], [sflag:$0x9], $0x1C00, $0x38;
	[tilespmem:$0x1FE00] =	vst v63  }
0x46: {  	_ =	swait.ge @!p0 [sflag:s4], $0x1C00  }
0x47: {  	[sflag:s4] =	ssyncset.done @!p0 $0x0  }
0x48: {  	[sflag:s4] =	ssyncadd.s32 @!p0 $0xFFFFE400  }
0x49: {  	[bflag:$0x0] =	sbarrier.arrive $0xFFFF  }
0x4a: {  	s5 =	simm.s32 $0x0;
	s19 =	rddreg [dreg:$0xd]  }
0x4b: {  	[tilespmem:s5], [sflag:$0x1] =	stream.linear.gather [hbm4b:s19+s5], $0x80, $0x38;
	[tilespmem:$0x1FE00] =	vst v63  }
0x4c: {  	s20 =	rddreg [dreg:$0x13]  }
0x4d: {  	[tilespmem:s0], [sflag:$0x1] =	stream.linear.gather [hbm4b:s20+s5], $0x80, $0x38;
	[tilespmem:$0x1FE00] =	vst v63  }
0x4e: {  	s22 =	simm.s32 $0x100;
	s21 =	rddreg [dreg:$0x14]  }
0x4f: {  	[tilespmem:s22], [sflag:$0x2] =	stream.linear.gather [hbm4b:s21+s5], $0x80, $0x38;
	[tilespmem:$0x1FE00] =	vst v63  }
0x50: {  	s9 =	simm.s32 $0x180;
	s23 =	rddreg [dreg:$0x19]  }
0x51: {  	[tilespmem:s9], [sflag:$0x2] =	stream.linear.gather [hbm4b:s23+s5], $0x80, $0x38;
	[tilespmem:$0x1FE00] =	vst v63  }
0x52: {  	s25 =	simm.s32 $0x200;
	s24 =	rddreg [dreg:$0x1a]  }
0x53: {  	[tilespmem:s25], [sflag:$0x3] =	stream.linear.gather [hbm4b:s24+s5], $0x80, $0x38;
	[tilespmem:$0x1FE00] =	vst v63  }
0x54: {  	s28 =	simm.s32 $0x280;
	s30 =	simm.s32 $0x1;
	s26 =	rddreg [dreg:$0x1b]  }
0x55: {  	[tilespmem:s28], [sflag:$0x3] =	stream.linear.gather [hbm4b:s26+s5], $0x80, $0x38;
	[tilespmem:$0x1FE00] =	vst v63  }
0x56: {  	_ =	swait.ge [sflag:s30], $0x80  }
0x57: {  	[sflag:s30] =	ssyncset.done $0x0  }
0x58: {  	[sflag:s30] =	ssyncadd.s32 $0xFFFFFF80  }
0x59: {  	_ =	swait.ge [sflag:s30], $0x80  }
0x5a: {  	s10 =	simm.s32 $0x2;
	[sflag:s30] =	ssyncset.done $0x0  }
0x5b: {  	s11 =	smulhi.u32 $0xAAAAAAAB, s5;
	s4 =	simm.s32 $0x400;
	[sflag:s30] =	ssyncadd.s32 $0xFFFFFF80  }
0x5c: {  	[tilespmem:s4], [sflag:$0x5] =	stream.indirect.gather [hbm4b:s2+s0], $0x80, s5, s0, $0xb8;
	[tilespmem:$0x1FE00] =	vst v63  }
0x5d: {  	_ =	swait.ge [sflag:s10], $0x80  }
0x5e: {  	s12 =	sshrl.u32 s11, $0x1;
	[sflag:s10] =	ssyncset.done $0x0  }
0x5f: {  	s14 =	smul.u32 $0xFFFFFFF4, s12;
	[sflag:s10] =	ssyncadd.s32 $0xFFFFFF80  }
0x60: {  	_ =	swait.ge [sflag:s10], $0x80  }
0x61: {  	s14 =	sshra.s32 s14, $0x2;
	[sflag:s10] =	ssyncset.done $0x0  }
0x62: {  	s13 =	simm.s32 $0x4400;
	s14 =	sadd.s32 $0x5, s14;
	[sflag:s10] =	ssyncadd.s32 $0xFFFFFF80  }
0x63: {  	[tilespmem:s13], [sflag:$0x6] =	stream.indirect.gather [hbm4b:s2+s0], $0x80, s22, s0, $0xb8;
	[tilespmem:$0x1FE00] =	vst v63  }
0x64: {  	p2 =	por $0x1, $0x1;
	_ =	swait.ge [sflag:s14], $0x4000  }
0x65: {  	p1 =	sle.u32 s7, $0x2;
	s18 =	simm.s32 $0x4400;
	[sflag:s14] =	ssyncset.done $0x0  }
0x66: {  	s12 =	smul.u32 $0xFFFD0000, s12;
	[sflag:s14] =	ssyncadd.s32 $0xFFFFC000;
	s14 =	simm.s32 @!p2 $0x8  }
0x67: {  	s19 =	simm.s32 $0x2;
	s9 =	smulhi.u32 $0xAAAAAAAB, s10;
	_ =	swait.ge @!p2 [sflag:s14], $0x4000  }
0x68: {  	s16 =	sshra.s32 s12, $0x2;
	s25 =	sand.u32 @!p1 $0x3, s19;
	[sflag:s14] =	ssyncset.done @!p2 $0x0  }
0x69: {  	s9 =	sshrl.u32 s9, $0x1;
	[sflag:s14] =	ssyncadd.s32 @!p2 $0xFFFFC000;
	s14 =	sadd.s32 @!p1 $0x1, s25  }
0x6a: {  	s20 =	simm.s32 $0xC400;
	s26 =	smul.u32 $0xFFFFFFF4, s9;
	_ =	swait.ge @!p1 [sflag:s14], $0x80  }
0x6b: {  	s21 =	simm.s32 $0x6;
	s9 =	smul.u32 $0xFFFD0000, s9;
	[sflag:s14] =	ssyncset.done @!p1 $0x0  }
0x6c: {  	s23 =	simm.s32 $0x3;
	s19 =	simm.s32 $0x400;
	[sflag:s14] =	ssyncadd.s32 @!p1 $0xFFFFFF80  }
0x6d: {  	s26 =	sshra.s32 s26, $0x2;
	s9 =	sshra.s32 s9, $0x2;
	_ =	swait.ge @!p1 [sflag:s14], $0x80  }
0x6e: {  	s26 =	sadd.s32 $0x7, s26;
	s9 =	sadd.s32 $0x8400, s9;
	[sflag:s14] =	ssyncset.done @!p1 $0x0  }
0x6f: {  	s25 =	sshll.u32 @!p1 s25, $0x8;
	[sflag:s14] =	ssyncadd.s32 @!p1 $0xFFFFFF80;
	s14 =	simm.s32 @!p1 $0x80  }
0x70: {  	[tilespmem:s9], [sflag:s26] =	stream.indirect.gather @!p1 [hbm4b:s2+s14], $0x80, s25, s14, $0xb8;
	[tilespmem:$0x1FE00] =	vst v63  }
0x71: {  	s28 =	simm.s32 $0x3;
	s4 =	rddreg [dreg:$0x17];
	p1 =	sle.u32 s7, $0x3  }
0x72: {  	s5 =	sand.u32 $0xC00, s5;
	s29 =	rddreg [dreg:$0x5];
	p2 =	por @!p1 $0x0, $0x0  }
0x73: {  	s24 =	rddreg [dreg:$0x6];
	p3 =	seq.s32 @!p1 s6, $0x0;
	p2 =	por !p2, p1  }
0x74: {  	s30 =	sadd.s32 $0x4, s24;
	s29 =	smov.u32 @p2 s4;
	p2 =	por !p3, p1  }
0x75: {  	s5 =	sshrl.u32 s5, $0x2;
	s29 =	smov.u32 @p2 s4;
	p2 =	sne.s32 s30, $0x3  }
.Ltmp1:
0x76: {  	s5 =	sor.u32 $0x80, s5;
	s9 =	sadd.s32 $0x400, s16;
	(pc) =	sbr.rel @!p2 .LBB2_5-.Ltmp1, $4  }
0x77: {  	[spmem:s3] =	stream.indirect.scatter.add.f32 [tilespmem:s9], [sflag:$0x8], $0x80, s5, s0, $0xb8;
	[tilespmem:$0x1FE00] =	vst v63  }
0x78: {  	s22 =	simm.s32 $0x8;
	s25 =	sadd.s32 $0x80, s4;
	s9 =	sand.u32 @!p1 $0x3, s28  }
0x79: {  	s26 =	simm.s32 $0x1;
	s5 =	simm.s32 $0x4;
	s12 =	sshll.u32 @!p1 s9, $0x8  }
0x7a: {  	s14 =	sadd.s32 @!p1 $0x1, s9;
	s9 =	sshrl.u32 @!p1 s29, $0x2;
	s29 =	sor.u32 @!p1 $0x80, s12  }
.LBB2_4:
0x7b: {  	s10 =	sadd.s32 @!p1 s1, s9;
	s8 =	simm.s32 @!p1 $0x0;
	s11 =	sor.u32 @!p1 $0x10, s9  }
0x7c: {  	s13 =	smov.u32 s18;
	s4 =	smov.u32 s19;
	s28 =	smov.u32 s20  }
0x7d: {  	[tilespmem:s12], [sflag:s14] =	stream.linear.gather @!p1 [hbm4b:s10+s8], $0x80, $0x38;
	[tilespmem:$0x1FE00] =	vst v63  }
0x7e: {  	s30 =	smov.u32 s21;
	s16 =	smov.u32 s23;
	s12 =	smulhi.u32 $0xAAAAAAAB, s26  }
0x7f: {  	s18 =	sadd.s32 $0x4000, s18;
	s19 =	sadd.s32 $0x400, s19;
	s20 =	sadd.s32 $0x4000, s20  }
0x80: {  	s21 =	sadd.s32 $0x1, s21;
	s23 =	sadd.s32 $0x1, s23;
	s10 =	sshrl.u32 s12, $0x1  }
0x81: {  	s11 =	sadd.s32 @!p1 s1, s11;
	s26 =	sadd.s32 $0x1, s26;
	s24 =	smul.u32 $0xFFFFFFF4, s10  }
0x82: {  	[tilespmem:s29], [sflag:s14] =	stream.linear.gather @!p1 [hbm4b:s11+s8], $0x80, $0x38;
	[tilespmem:$0x1FE00] =	vst v63  }
0x83: {  	s9 =	sand.u32 $0xC00, s4;
	s10 =	smul.u32 $0xFFFD0000, s10;
	s11 =	sshra.s32 s24, $0x2  }
0x84: {  	s14 =	smov.u32 s22;
	s12 =	smov.u32 s5;
	s11 =	sadd.s32 s11, s30  }
0x85: {  	s8 =	smulhi.u32 $0xAAAAAAAB, s16;
	s10 =	sshra.s32 s10, $0x2;
	_ =	swait.ge [sflag:s11], $0x4000  }
0x86: {  	p3 =	seq.s32 s12, $0x3;
	s10 =	sadd.s32 s10, s13;
	[sflag:s11] =	ssyncset.done $0x0  }
0x87: {  	s13 =	sadd.s32 $0xFFFFFFFF, s12;
	[sflag:s11] =	ssyncadd.s32 $0xFFFFC000;
	s11 =	simm.s32 @!p3 $0x8  }
0x88: {  	s5 =	sadd.s32 $0x1, s5;
	p2 =	sge.u32 s13, s7;
	_ =	swait.ge @!p3 [sflag:s11], $0x4000  }
0x89: {  	s8 =	sshrl.u32 s8, $0x1;
	s13 =	sand.u32 @!p2 $0x3, s13;
	[sflag:s11] =	ssyncset.done @!p3 $0x0  }
0x8a: {  	s24 =	smul.u32 $0xFFFFFFF4, s8;
	[sflag:s11] =	ssyncadd.s32 @!p3 $0xFFFFC000;
	s11 =	sadd.s32 @!p2 $0x1, s13  }
0x8b: {  	p1 =	sge.u32 s12, s7;
	s8 =	smul.u32 $0xFFFD0000, s8;
	_ =	swait.ge @!p2 [sflag:s11], $0x80  }
0x8c: {  	s30 =	sadd.s32 $0xFFFFFFFD, s12;
	s24 =	sshra.s32 s24, $0x2;
	[sflag:s11] =	ssyncset.done @!p2 $0x0  }
0x8d: {  	p4 =	sgt.u32 @!p1 s30, $0x4A;
	s8 =	sshra.s32 s8, $0x2;
	[sflag:s11] =	ssyncadd.s32 @!p2 $0xFFFFFF80  }
0x8e: {  	s30 =	sand.u32 @!p1 $0x3, s12;
	s16 =	simm.s32 @!p2 $0x80;
	_ =	swait.ge @!p2 [sflag:s11], $0x80  }
0x8f: {  	s14 =	sadd.s32 s24, s14;
	s8 =	sadd.s32 s8, s28;
	[sflag:s11] =	ssyncset.done @!p2 $0x0  }
0x90: {  	s13 =	sshll.u32 @!p2 s13, $0x8;
	[sflag:s11] =	ssyncadd.s32 @!p2 $0xFFFFFF80;
	s11 =	rddreg [dreg:$0x6]  }
0x91: {  	[tilespmem:s8], [sflag:s14] =	stream.indirect.gather @!p2 [hbm4b:s2+s16], $0x80, s13, s16, $0xb8;
	[tilespmem:$0x1FE00] =	vst v63  }
0x92: {  	s12 =	sshll.u32 @!p1 s30, $0x8;
	s14 =	sadd.s32 @!p1 $0x1, s30;
	s30 =	sadd.s32 s5, s11  }
0x93: {  	s29 =	smov.u32 s25;
	p4 =	por !p4, p1;
	p2 =	sne.s32 s30, $0x3  }
.Ltmp2:
0x94: {  	p3 =	seq.s32 @!p1 s6, $0x0;
	s4 =	rddreg [dreg:$0x5];
	(pc) =	sbr.rel @p2 .LBB2_4-.Ltmp2, $4  }
0x95: {  	s9 =	sshrl.u32 s9, $0x2;
	p3 =	por !p3, p1;
	s4 =	smov.u32 @p4 s29  }
0x96: {  	s22 =	sadd.s32 $0x1, s22;
	s9 =	sor.u32 $0x80, s9;
	s4 =	smov.u32 @p3 s29  }
0x97: {  	[spmem:s3] =	stream.indirect.scatter.add.f32 [tilespmem:s10], [sflag:$0x8], $0x80, s9, s0, $0xb8;
	[tilespmem:$0x1FE00] =	vst v63  }
0x98: {  	s25 =	sadd.s32 $0x80, s25;
	s29 =	sor.u32 @!p1 $0x80, s12;
	s9 =	sshrl.u32 @!p1 s4, $0x2  }
.LBB2_5:
0x99: {  	s4 =	sadd.s32 @!p1 s1, s9;
	s5 =	simm.s32 @!p1 $0x0;
	s8 =	sor.u32 @!p1 $0x10, s9  }
0x9a: {  	[tilespmem:s12], [sflag:s14] =	stream.linear.gather @!p1 [hbm4b:s4+s5], $0x80, $0x38;
	[tilespmem:$0x1FE00] =	vst v63  }
0x9b: {  	s19 =	simm.s32 $0x8;
	s4 =	sadd.s32 @!p1 s1, s8  }
0x9c: {  	[tilespmem:s29], [sflag:s14] =	stream.linear.gather @!p1 [hbm4b:s4+s5], $0x80, $0x38;
	[tilespmem:$0x1FE00] =	vst v63  }
0x9d: {  	_ =	swait.ge [sflag:s19], $0x4000  }
0x9e: {  	[sflag:s19] =	ssyncset.done $0x0  }
0x9f: {  	[sflag:s19] =	ssyncadd.s32 $0xFFFFC000  }
0xa0: {  	s20 =	stileid.u32;
	[bflag:$0x0] =	sbarrier.arrive $0xFFFF  }
0xa1: {  	s4 =	sshll.u32 s20, $0x6;
	s8 =	rddreg [dreg:$0x7]  }
0xa2: {  	s4 =	sadd.s32 $0x1C09, s4;
	s22 =	rddreg [dreg:$0xe];
	s21 =	sshrl.u32 s8, $0x3  }
0xa3: {  	[hbm:s22], [sflag:s4] =	dma.local [spmem:s21], $0x800  }
0xa4: {  	_ =	swait.ge [sflag:s31], $0x800  }
0xa5: {  	[sflag:s31] =	ssyncset.done $0x0;
	s11 =	rddreg [dreg:$0x8]  }
0xa6: {  	s24 =	rddreg [dreg:$0xf];
	[sflag:s31] =	ssyncadd.s32 $0xFFFFF800;
	s23 =	sshrl.u32 s11, $0x3  }
0xa7: {  	[hbm:s24], [sflag:s4] =	dma.local [spmem:s23], $0x800  }
0xa8: {  	_ =	swait.ge [sflag:s31], $0x800  }
0xa9: {  	[sflag:s31] =	ssyncset.done $0x0;
	s13 =	rddreg [dreg:$0x9]  }
0xaa: {  	s26 =	rddreg [dreg:$0x10];
	[sflag:s31] =	ssyncadd.s32 $0xFFFFF800;
	s25 =	sshrl.u32 s13, $0x3  }
0xab: {  	[hbm:s26], [sflag:s4] =	dma.local [spmem:s25], $0x800  }
0xac: {  	_ =	swait.ge [sflag:s31], $0x800  }
0xad: {  	[sflag:s31] =	ssyncset.done $0x0;
	s19 =	rddreg [dreg:$0xa]  }
0xae: {  	s29 =	rddreg [dreg:$0x11];
	[sflag:s31] =	ssyncadd.s32 $0xFFFFF800;
	s28 =	sshrl.u32 s19, $0x3  }
0xaf: {  	[hbm:s29], [sflag:s4] =	dma.local [spmem:s28], $0x800  }
0xb0: {  	_ =	swait.ge [sflag:s31], $0x800  }
0xb1: {  	[sflag:s31] =	ssyncset.done $0x0;
	s5 =	rddreg [dreg:$0x12]  }
0xb2: {  	s9 =	rddreg [dreg:$0x18];
	[sflag:s31] =	ssyncadd.s32 $0xFFFFF800  }
0xb3: {  	[hbm:s5], [sflag:s4] =	dma.local @p0 [spmem:s9], $0x780  }
0xb4: {  	_ =	swait.ge @p0 [sflag:s17], $0x780  }
0xb5: {  	[sflag:s17] =	ssyncset.done @p0 $0x0;
	s20 =	rddreg [dreg:$0xc]  }
0xb6: {  	s9 =	rddreg [dreg:$0x15];
	[sflag:s17] =	ssyncadd.s32 @p0 $0xFFFFF880;
	s5 =	sshrl.u32 @!p0 s20, $0x3  }
0xb7: {  	[hbm:s9], [sflag:s4] =	dma.local @!p0 [spmem:s5], $0x380  }
0xb8: {  	s5 =	simm.s32 @!p0 $0x9  }
0xb9: {  	_ =	swait.ge @!p0 [sflag:s5], $0x380  }
0xba: {  	s15 =	sadd.s32 $0x1, s15;
	s30 =	rddreg [dreg:$0x16]  }
0xbb: {  	p1 =	sne.s32 s15, s30  }
.Ltmp3:
0xbc: {  	_ = 	snop;
	(pc) =	sbr.rel @p1 .LBB2_1-.Ltmp3, $3  }
0xbd: {  	_ =	sdelay $0x1  }
0xbe: {  	[sflag:s5] =	ssyncset.done @!p0 $0x0  }
0xbf: {  	[sflag:s5] =	ssyncadd.s32 @!p0 $0xFFFFFC80  }
0xc0: {  	_ =	sfence.sel $0x180000  }
0xc1: {  	[bflag:$0x0] =	sbarrier.arrive $0xFFFF  }
0xc2: {  	_ =	strace $0x90000047  }
0xc3: {  	s0 =	stileid.u32;
	[bflag:$0x2] =	sbarrier.arrive $0xFFFF  }
0xc4: {  	p0 =	sne.s32 s0, $0x0;
	s0 =	rddreg [dreg:$0x4]  }
0xc5: {  	s0 =	sadd.s32 @!p0 $0x100000, s0  }
0xc6: {  	[sflag:s0] =	ssyncadd.tile.s32 @!p0 $0x1;
	_ =	shalt  }
.Lfunc_end2:
_tile_overlayer_lowered:
.L_overlay_start_2:
0xc7: {  	(tag) =	ssettag $0x2  }
0xc8: {  	s0 =	rddreg [dreg:$0x0];
	s2 =	stileid.u32  }
0xc9: {  	s1 =	rddreg [dreg:$0x1];
	p0 =	sne.s32 s2, $0x0  }
0xca: {  	s3 =	rddreg [dreg:$0x2];
	[bflag:$0x3] =	sbarrier.arrive $0xFFFF;
	s2 =	simm.s32 @!p0 $0x1C09  }
0xcb: {  	[timem:s3], [sflag:s2] =	dma.local @!p0 [hbm:s0], s1  }
0xcc: {  	s0 =	simm.s32 @!p0 $0x9  }
0xcd: {  	_ =	swait.ge @!p0 [sflag:s0], s1  }
0xce: {  	s1 =	ssub.s32 @!p0 $0x0, s1;
	[sflag:s0] =	ssyncset.done @!p0 $0x0  }
0xcf: {  	[sflag:s0] =	ssyncadd.s32 @!p0 s1  }
0xd0: {  	[bflag:$0x3] =	sbarrier.arrive $0xFFFF  }
0xd1: {  	_ =	shalt  }

</sc_bundles>
